<compile_context>
chip_gen: v7x
topology: tpu7x:2x2x1
jax: 0.10.2.dev20260603
libtpu: 0.0.44.dev20260713+nightly
codegen_flags: <defaults>
</compile_context>

<pallas_src>
import functools

import jax
import jax.numpy as jnp
from jax import lax
from jax.experimental import pallas as pl
from jax.experimental.pallas import tpu as pltpu
from jax.experimental.pallas import tpu_sc as plsc

N = 10000
D = 128
E = 320000

NPAD = 10240
RPT = 640
CH = 128
NW = 32
NCH = 79
EW = NCH * CH
EPAD = NW * EW
TRASH = N + 100
RBLK = 1024


@functools.cache
def _sc_kernels():
    mesh = plsc.VectorSubcoreMesh(core_axis_name="c", subcore_axis_name="s")

    deg_kernel = functools.partial(
        pl.kernel,
        out_type=jax.ShapeDtypeStruct((2, NPAD), jnp.float32),
        mesh=mesh,
        scratch_types=[
            pltpu.VMEM((CH,), jnp.int32),
            pltpu.VMEM((CH,), jnp.float32),
            pltpu.VMEM((RPT,), jnp.float32),
            pltpu.VMEM_SHARED((NPAD,), jnp.float32),
        ],
    )(_deg_body)

    prop_kernel = functools.partial(
        pl.kernel,
        out_type=jax.ShapeDtypeStruct((2, NPAD, D), jnp.float32),
        mesh=mesh,
        scratch_types=[
            pltpu.VMEM((CH,), jnp.int32),
            pltpu.VMEM((CH,), jnp.int32),
            pltpu.VMEM((CH, D), jnp.float32),
            pltpu.VMEM_SHARED((NPAD, D), jnp.float32),
            pltpu.SemaphoreType.DMA,
        ],
    )(_prop_body)

    return deg_kernel, prop_kernel


def _deg_body(dst_hbm, out_hbm, didx_v, ones_v, buf_v, acc_sh):
    c = lax.axis_index("c")
    s = lax.axis_index("s")
    w = c * 16 + s

    def initb(i, _):
        buf_v[pl.ds(i * 16, 16)] = jnp.zeros((16,), jnp.float32)
        return 0

    lax.fori_loop(0, RPT // 16, initb, 0)

    def inito(i, _):
        ones_v[pl.ds(i * 16, 16)] = jnp.ones((16,), jnp.float32)
        return 0

    lax.fori_loop(0, CH // 16, inito, 0)

    pltpu.sync_copy(buf_v, acc_sh.at[pl.ds(s * RPT, RPT)])
    plsc.subcore_barrier()

    base = w * EW

    def step(k, _):
        off = base + k * CH
        pltpu.sync_copy(dst_hbm.at[pl.ds(off, CH)], didx_v)
        pltpu.sync_copy(ones_v, acc_sh.at[didx_v], add=True)
        return 0

    lax.fori_loop(0, NCH, step, 0)
    plsc.subcore_barrier()

    pltpu.sync_copy(acc_sh.at[pl.ds(s * RPT, RPT)], buf_v)
    pltpu.sync_copy(buf_v, out_hbm.at[c, pl.ds(s * RPT, RPT)])


def _prop_body(hn_hbm, src_hbm, dst_hbm, zero_hbm, out_hbm,
               si_c, di_c, rows_v, acc_sh, gsem):
    c = lax.axis_index("c")
    s = lax.axis_index("s")
    w = c * 16 + s

    pltpu.sync_copy(zero_hbm, rows_v)
    for k in range(RPT // CH):
        pltpu.sync_copy(rows_v, acc_sh.at[pl.ds(s * RPT + k * CH, CH), :])
    plsc.subcore_barrier()

    base = w * EW

    def step(k, _):
        off = base + k * CH
        pltpu.sync_copy(src_hbm.at[pl.ds(off, CH)], si_c)
        pltpu.sync_copy(dst_hbm.at[pl.ds(off, CH)], di_c)
        pltpu.async_copy(hn_hbm.at[si_c], rows_v, gsem).wait()
        pltpu.sync_copy(rows_v, acc_sh.at[di_c], add=True)
        return 0

    lax.fori_loop(0, NCH, step, 0)
    plsc.subcore_barrier()

    def outstep(k, _):
        r = s * RPT + k * CH
        pltpu.sync_copy(acc_sh.at[pl.ds(r, CH), :], rows_v)
        pltpu.sync_copy(rows_v, out_hbm.at[c, pl.ds(r, CH), :])
        return 0

    lax.fori_loop(0, RPT // CH, outstep, 0)


def _mm(x, w):
    return lax.dot_general(x, w, (((1,), (1,)), ((), ())),
                           preferred_element_type=jnp.float32)


def _t1_body(dp_ref, f_ref, w_ref, hn_ref, out0_ref, norm_ref):
    deg = jnp.maximum(dp_ref[0] + dp_ref[1], 1.0)
    nrm = lax.rsqrt(deg)
    f = f_ref[...]
    hn_ref[...] = f * nrm
    norm_ref[...] = nrm
    out0_ref[...] = _mm(f, w_ref[...])


def _t2_body(p_ref, norm_ref, w_ref, out_ref, hn2_ref):
    nrm = norm_ref[...]
    h = (p_ref[0] + p_ref[1]) * nrm
    out_ref[...] = _mm(h, w_ref[...])
    hn2_ref[...] = h * nrm


def _t3_body(p_ref, norm_ref, w_ref, out_ref):
    h = (p_ref[0] + p_ref[1]) * norm_ref[...]
    out_ref[...] = _mm(h, w_ref[...])


_f32 = jnp.float32
_grid = (NPAD // RBLK,)

_t1 = pl.pallas_call(
    _t1_body,
    grid=_grid,
    in_specs=[
        pl.BlockSpec((2, RBLK, 1), lambda i: (0, i, 0)),
        pl.BlockSpec((RBLK, D), lambda i: (i, 0)),
        pl.BlockSpec((D, D), lambda i: (0, 0)),
    ],
    out_specs=[
        pl.BlockSpec((RBLK, D), lambda i: (i, 0)),
        pl.BlockSpec((RBLK, D), lambda i: (i, 0)),
        pl.BlockSpec((RBLK, 1), lambda i: (i, 0)),
    ],
    out_shape=[
        jax.ShapeDtypeStruct((NPAD, D), _f32),
        jax.ShapeDtypeStruct((NPAD, D), _f32),
        jax.ShapeDtypeStruct((NPAD, 1), _f32),
    ],
)

_pspecs = [
    pl.BlockSpec((2, RBLK, D), lambda i: (0, i, 0)),
    pl.BlockSpec((RBLK, 1), lambda i: (i, 0)),
    pl.BlockSpec((D, D), lambda i: (0, 0)),
]

_t2 = pl.pallas_call(
    _t2_body,
    grid=_grid,
    in_specs=_pspecs,
    out_specs=[
        pl.BlockSpec((RBLK, D), lambda i: (i, 0)),
        pl.BlockSpec((RBLK, D), lambda i: (i, 0)),
    ],
    out_shape=[
        jax.ShapeDtypeStruct((NPAD, D), _f32),
        jax.ShapeDtypeStruct((NPAD, D), _f32),
    ],
)

_t3 = pl.pallas_call(
    _t3_body,
    grid=_grid,
    in_specs=_pspecs,
    out_specs=pl.BlockSpec((RBLK, D), lambda i: (i, 0)),
    out_shape=jax.ShapeDtypeStruct((NPAD, D), _f32),
)


@jax.jit
def kernel(feats, edge_index, W0, W1, W2):
    feats_p = jnp.pad(feats, ((0, NPAD - N), (0, 0)))
    src_p = jnp.pad(edge_index[0], (0, EPAD - E))
    dst_p = jnp.pad(edge_index[1], (0, EPAD - E), constant_values=TRASH)
    zeros_blk = jnp.zeros((CH, D), _f32)

    _deg_kernel, _prop_kernel = _sc_kernels()
    dp = _deg_kernel(dst_p)
    dp3 = dp.reshape(2, NPAD, 1)
    hn, out0, normc = _t1(dp3, feats_p, W0)
    pp1 = _prop_kernel(hn, src_p, dst_p, zeros_blk)
    out1, hn2 = _t2(pp1, normc, W1)
    pp2 = _prop_kernel(hn2, src_p, dst_p, zeros_blk)
    out2 = _t3(pp2, normc, W2)
    return jnp.concatenate([out0[:N], out1[:N], out2[:N]], axis=1)

# --- scband reference (transcript-rebuilt; emitter-appended) ---
"""Pipeline reference for scband-adem-63651415327138 (READ-ONLY COPY).

The authoritative reference and input builder live on the scoring server;
editing this copy changes nothing except your own understanding.
"""

import jax, jax.numpy as jnp
import numpy as np

N_NODES = 10000
N_EDGES = 320000
IN_DIM = 128
OUT_DIM = 128
P = [0, 1, 2]


def setup_inputs(seed: int = 0) -> dict:
    key = jax.random.key(seed)
    k1, k2, k3, k4, k5 = jax.random.split(key, 5)
    feats = jax.random.normal(k1, (N_NODES, IN_DIM), dtype=jnp.float32)
    edge_index = jax.random.randint(k2, (2, N_EDGES), 0, N_NODES, dtype=jnp.int32)
    # Linear weights (torch nn.Linear stores [out_dim, in_dim]); one per power j in p
    scale = float(np.sqrt(6.0 / (IN_DIM + OUT_DIM)))  # xavier_uniform range
    W0 = jax.random.uniform(k3, (OUT_DIM, IN_DIM), dtype=jnp.float32, minval=-scale, maxval=scale)
    W1 = jax.random.uniform(k4, (OUT_DIM, IN_DIM), dtype=jnp.float32, minval=-scale, maxval=scale)
    W2 = jax.random.uniform(k5, (OUT_DIM, IN_DIM), dtype=jnp.float32, minval=-scale, maxval=scale)
    return {"feats": feats, "edge_index": edge_index, "W0": W0, "W1": W1, "W2": W2}


def reference(feats, edge_index, W0, W1, W2):
    # MixHopConv forward (p=[0,1,2], dropout=0, no activation, no batchnorm)
    src = edge_index[0]
    dst = edge_index[1]
    # in-degrees (messages flow src -> dst in DGL update_all), clamped to min 1
    degs = jax.ops.segment_sum(jnp.ones((N_EDGES,), dtype=jnp.float32), dst, num_segments=N_NODES)
    degs = jnp.clip(degs, 1.0, None)
    norm = jnp.power(degs, -0.5)[:, None]  # [N, 1]
    Ws = [W0, W1, W2]
    outputs = []
    h = feats
    max_j = max(P) + 1
    for j in range(max_j):
        if j in P:
            outputs.append(h @ Ws[j].T)
        # symmetric-normalized propagation: h <- D^{-1/2} A D^{-1/2} h
        h = h * norm
        msg = jnp.take(h, src, axis=0)  # copy_u
        h = jax.ops.segment_sum(msg, dst, num_segments=N_NODES)  # sum reduce
        h = h * norm
    final = jnp.concatenate(outputs, axis=1)  # [N, out_dim * len(p)]
    return final

if __name__ == "__main__":
    import jax
    _d = setup_inputs()
    print(jax.jit(kernel)(*tuple(_d.values())))

</pallas_src>

<mosaic_0001>
#map = affine_map<(d0, d1) -> (0)>
#map1 = affine_map<(d0, d1) -> (0, 0)>
module attributes {stable_mosaic.version = 14 : i64} {
  func.func @_deg_body(%arg0: i32, %arg1: i32, %arg2: memref<323584xi32, #tpu.memory_space<hbm>>, %arg3: memref<2x10240xf32, #tpu.memory_space<hbm>>, %arg4: memref<128xi32, #tpu.memory_space<vmem>>, %arg5: memref<128xf32, #tpu.memory_space<vmem>>, %arg6: memref<640xf32, #tpu.memory_space<vmem>>, %arg7: memref<10240xf32, #tpu.memory_space<vmem_shared>>) attributes {dimension_semantics = [#tpu.dimension_semantics<core_parallel>, #tpu.dimension_semantics<subcore_parallel>], iteration_bounds = array<i64: 2, 16>, scalar_prefetch = 0 : i64, scratch_operands = 4 : i64, tpu.core_type = #tpu.core_type<sc_vector_subcore>, window_params = [{transform_indices = #map}, {transform_indices = #map1}]} {
    %mul3A = arith.constant 16 : i32
    %mul3A_0 = arith.muli %arg0, %mul3A : i32
    %add3A = arith.addi %mul3A_0, %arg1 : i32
    %scan3A = arith.constant 0 : i32
    %scan3A_1 = arith.constant 0 : i32
    %scan3A_2 = arith.constant 40 : i32
    %scan3A_3 = arith.addi %scan3A_1, %scan3A_2 : i32
    %scan3A_4 = arith.constant 1 : i32
    %scan3A_5 = scf.for %scan3A_30 = %scan3A_1 to %scan3A_3 step %scan3A_4 iter_args(%scan3A_31 = %scan3A) -> (i32)  : i32 {
      %broadcast_in_dim3A = arith.constant 0.000000e+00 : f32
      %broadcast_in_dim3A_32 = vector.broadcast %broadcast_in_dim3A : f32 to vector<16xf32>
      %mul3A_33 = arith.constant 16 : i32
      %mul3A_34 = arith.muli %scan3A_30, %mul3A_33 : i32
      %swap3A = arith.index_cast %mul3A_34 : i32 to index
      %swap3A_35 = tpu.vector_load %arg6[%swap3A] {strides = array<i32>} : memref<640xf32, #tpu.memory_space<vmem>>, vector<16xf32>,
      %swap3A_36 = vector.shape_cast %swap3A_35 : vector<16xf32> to vector<16xf32>
      %swap3A_37 = vector.shape_cast %broadcast_in_dim3A_32 : vector<16xf32> to vector<16xf32>
      tpu.vector_store %arg6[%swap3A], %swap3A_37 {strides = array<i32>} : memref<640xf32, #tpu.memory_space<vmem>>, vector<16xf32>,
      %scan3A_38 = arith.constant 0 : i32
      scf.yield %scan3A_38 : i32
    }
    %scan3A_6 = arith.constant 40 : i32
    %scan3A_7 = arith.constant 0 : i32
    %scan3A_8 = arith.constant 0 : i32
    %scan3A_9 = arith.constant 8 : i32
    %scan3A_10 = arith.addi %scan3A_8, %scan3A_9 : i32
    %scan3A_11 = arith.constant 1 : i32
    %scan3A_12 = scf.for %scan3A_30 = %scan3A_8 to %scan3A_10 step %scan3A_11 iter_args(%scan3A_31 = %scan3A_7) -> (i32)  : i32 {
      %broadcast_in_dim3A = arith.constant 1.000000e+00 : f32
      %broadcast_in_dim3A_32 = vector.broadcast %broadcast_in_dim3A : f32 to vector<16xf32>
      %mul3A_33 = arith.constant 16 : i32
      %mul3A_34 = arith.muli %scan3A_30, %mul3A_33 : i32
      %swap3A = arith.index_cast %mul3A_34 : i32 to index
      %swap3A_35 = tpu.vector_load %arg5[%swap3A] {strides = array<i32>} : memref<128xf32, #tpu.memory_space<vmem>>, vector<16xf32>,
      %swap3A_36 = vector.shape_cast %swap3A_35 : vector<16xf32> to vector<16xf32>
      %swap3A_37 = vector.shape_cast %broadcast_in_dim3A_32 : vector<16xf32> to vector<16xf32>
      tpu.vector_store %arg5[%swap3A], %swap3A_37 {strides = array<i32>} : memref<128xf32, #tpu.memory_space<vmem>>, vector<16xf32>,
      %scan3A_38 = arith.constant 0 : i32
      scf.yield %scan3A_38 : i32
    }
    %scan3A_13 = arith.constant 8 : i32
    %mul3A_14 = arith.constant 640 : i32
    %mul3A_15 = arith.muli %arg1, %mul3A_14 : i32
    "tpu.region"() ({
      %run_scoped3A = tpu.sem_alloc : memref<!tpu.dma_semaphore, #tpu.memory_space<semaphore_mem>>
      %dma_start3A = tpu.memref_slice %arg7[%mul3A_15] : memref<10240xf32, #tpu.memory_space<vmem_shared>> -> memref<640xf32, #tpu.memory_space<vmem_shared>>
      %dma_start3A_30 = tpu.memref_slice %arg7[%mul3A_15] : memref<10240xf32, #tpu.memory_space<vmem_shared>> -> memref<640xf32, #tpu.memory_space<vmem_shared>>
      tpu.enqueue_dma source(%arg6 : memref<640xf32, #tpu.memory_space<vmem>>) target(%dma_start3A_30 : memref<640xf32, #tpu.memory_space<vmem_shared>>) target_semaphore(%run_scoped3A : memref<!tpu.dma_semaphore, #tpu.memory_space<semaphore_mem>>)
      %dma_wait3A = tpu.memref_slice %arg7[%mul3A_15] : memref<10240xf32, #tpu.memory_space<vmem_shared>> -> memref<640xf32, #tpu.memory_space<vmem_shared>>
      %dma_wait3A_31 = tpu.memref_slice %arg7[%mul3A_15] : memref<10240xf32, #tpu.memory_space<vmem_shared>> -> memref<640xf32, #tpu.memory_space<vmem_shared>>
      tpu.wait_dma2 semaphore(%run_scoped3A : memref<!tpu.dma_semaphore, #tpu.memory_space<semaphore_mem>>) src(%arg6 : memref<640xf32, #tpu.memory_space<vmem>>) dst(%dma_wait3A_31 : memref<640xf32, #tpu.memory_space<vmem_shared>>)
      tpu.yield
    }) : () -> ()
    %barrier3A = arith.constant 0 : index
    tpu.barrier barrier_id(%barrier3A)
    %mul3A_16 = arith.constant 10112 : i32
    %mul3A_17 = arith.muli %add3A, %mul3A_16 : i32
    %scan3A_18 = arith.constant 0 : i32
    %scan3A_19 = arith.constant 0 : i32
    %scan3A_20 = arith.constant 79 : i32
    %scan3A_21 = arith.addi %scan3A_19, %scan3A_20 : i32
    %scan3A_22 = arith.constant 1 : i32
    %scan3A_23 = scf.for %scan3A_30 = %scan3A_19 to %scan3A_21 step %scan3A_22 iter_args(%scan3A_31 = %scan3A_18) -> (i32)  : i32 {
      %mul3A_32 = arith.constant 128 : i32
      %mul3A_33 = arith.muli %scan3A_30, %mul3A_32 : i32
      %add3A_34 = arith.addi %mul3A_17, %mul3A_33 : i32
      "tpu.region"() ({
        %run_scoped3A = tpu.sem_alloc : memref<!tpu.dma_semaphore, #tpu.memory_space<semaphore_mem>>
        %dma_start3A = tpu.memref_slice %arg2[%add3A_34] : memref<323584xi32, #tpu.memory_space<hbm>> -> memref<128xi32, #tpu.memory_space<hbm>>
        %dma_start3A_36 = tpu.memref_slice %arg2[%add3A_34] : memref<323584xi32, #tpu.memory_space<hbm>> -> memref<128xi32, #tpu.memory_space<hbm>>
        tpu.enqueue_dma source(%dma_start3A_36 : memref<128xi32, #tpu.memory_space<hbm>>) target(%arg4 : memref<128xi32, #tpu.memory_space<vmem>>) target_semaphore(%run_scoped3A : memref<!tpu.dma_semaphore, #tpu.memory_space<semaphore_mem>>)
        %dma_wait3A = tpu.memref_slice %arg2[%add3A_34] : memref<323584xi32, #tpu.memory_space<hbm>> -> memref<128xi32, #tpu.memory_space<hbm>>
        %dma_wait3A_37 = tpu.memref_slice %arg2[%add3A_34] : memref<323584xi32, #tpu.memory_space<hbm>> -> memref<128xi32, #tpu.memory_space<hbm>>
        tpu.wait_dma2 semaphore(%run_scoped3A : memref<!tpu.dma_semaphore, #tpu.memory_space<semaphore_mem>>) src(%dma_wait3A_37 : memref<128xi32, #tpu.memory_space<hbm>>) dst(%arg4 : memref<128xi32, #tpu.memory_space<vmem>>)
        tpu.yield
      }) : () -> ()
      "tpu.region"() ({
        %run_scoped3A = tpu.sem_alloc : memref<!tpu.dma_semaphore, #tpu.memory_space<semaphore_mem>>
        %dma_start3A = arith.constant 0 : i32
        %dma_start3A_36 = tpu.memref_slice %arg7[%dma_start3A] : memref<10240xf32, #tpu.memory_space<vmem_shared>> -> memref<10240xf32, #tpu.memory_space<vmem_shared>>
        tpu.enqueue_indirect_dma source(%arg5 : memref<128xf32, #tpu.memory_space<vmem>>) target(%dma_start3A_36 : memref<10240xf32, #tpu.memory_space<vmem_shared>>) offsets(%arg4 : memref<128xi32, #tpu.memory_space<vmem>>) semaphore(%run_scoped3A : memref<!tpu.dma_semaphore, #tpu.memory_space<semaphore_mem>>) {add = true}
        %dma_wait3A = arith.constant 0 : i32
        %dma_wait3A_37 = tpu.memref_slice %arg7[%dma_wait3A] : memref<10240xf32, #tpu.memory_space<vmem_shared>> -> memref<10240xf32, #tpu.memory_space<vmem_shared>>
        tpu.wait_indirect_dma semaphore(%run_scoped3A : memref<!tpu.dma_semaphore, #tpu.memory_space<semaphore_mem>>) src(%arg5 : memref<128xf32, #tpu.memory_space<vmem>>) dst(%dma_wait3A_37 : memref<10240xf32, #tpu.memory_space<vmem_shared>>)
        tpu.yield
      }) : () -> ()
      %scan3A_35 = arith.constant 0 : i32
      scf.yield %scan3A_35 : i32
    }
    %scan3A_24 = arith.constant 79 : i32
    %barrier3A_25 = arith.constant 0 : index
    tpu.barrier barrier_id(%barrier3A_25)
    %mul3A_26 = arith.constant 640 : i32
    %mul3A_27 = arith.muli %arg1, %mul3A_26 : i32
    "tpu.region"() ({
      %run_scoped3A = tpu.sem_alloc : memref<!tpu.dma_semaphore, #tpu.memory_space<semaphore_mem>>
      %dma_start3A = tpu.memref_slice %arg7[%mul3A_27] : memref<10240xf32, #tpu.memory_space<vmem_shared>> -> memref<640xf32, #tpu.memory_space<vmem_shared>>
      %dma_start3A_30 = tpu.memref_slice %arg7[%mul3A_27] : memref<10240xf32, #tpu.memory_space<vmem_shared>> -> memref<640xf32, #tpu.memory_space<vmem_shared>>
      tpu.enqueue_dma source(%dma_start3A_30 : memref<640xf32, #tpu.memory_space<vmem_shared>>) target(%arg6 : memref<640xf32, #tpu.memory_space<vmem>>) target_semaphore(%run_scoped3A : memref<!tpu.dma_semaphore, #tpu.memory_space<semaphore_mem>>)
      %dma_wait3A = tpu.memref_slice %arg7[%mul3A_27] : memref<10240xf32, #tpu.memory_space<vmem_shared>> -> memref<640xf32, #tpu.memory_space<vmem_shared>>
      %dma_wait3A_31 = tpu.memref_slice %arg7[%mul3A_27] : memref<10240xf32, #tpu.memory_space<vmem_shared>> -> memref<640xf32, #tpu.memory_space<vmem_shared>>
      tpu.wait_dma2 semaphore(%run_scoped3A : memref<!tpu.dma_semaphore, #tpu.memory_space<semaphore_mem>>) src(%dma_wait3A_31 : memref<640xf32, #tpu.memory_space<vmem_shared>>) dst(%arg6 : memref<640xf32, #tpu.memory_space<vmem>>)
      tpu.yield
    }) : () -> ()
    %mul3A_28 = arith.constant 640 : i32
    %mul3A_29 = arith.muli %arg1, %mul3A_28 : i32
    "tpu.region"() ({
      %run_scoped3A = tpu.sem_alloc : memref<!tpu.dma_semaphore, #tpu.memory_space<semaphore_mem>>
      %dma_start3A = tpu.memref_slice %arg3[%arg0, %mul3A_29] : memref<2x10240xf32, #tpu.memory_space<hbm>> -> memref<1x640xf32, #tpu.memory_space<hbm>>
      %dma_start3A_30 = tpu.memref_squeeze %dma_start3A : memref<1x640xf32, #tpu.memory_space<hbm>> -> memref<640xf32, #tpu.memory_space<hbm>>
      %dma_start3A_31 = tpu.memref_slice %arg3[%arg0, %mul3A_29] : memref<2x10240xf32, #tpu.memory_space<hbm>> -> memref<1x640xf32, #tpu.memory_space<hbm>>
      %dma_start3A_32 = tpu.memref_squeeze %dma_start3A_31 : memref<1x640xf32, #tpu.memory_space<hbm>> -> memref<640xf32, #tpu.memory_space<hbm>>
      tpu.enqueue_dma source(%arg6 : memref<640xf32, #tpu.memory_space<vmem>>) target(%dma_start3A_32 : memref<640xf32, #tpu.memory_space<hbm>>) target_semaphore(%run_scoped3A : memref<!tpu.dma_semaphore, #tpu.memory_space<semaphore_mem>>)
      %dma_wait3A = tpu.memref_slice %arg3[%arg0, %mul3A_29] : memref<2x10240xf32, #tpu.memory_space<hbm>> -> memref<1x640xf32, #tpu.memory_space<hbm>>
      %dma_wait3A_33 = tpu.memref_squeeze %dma_wait3A : memref<1x640xf32, #tpu.memory_space<hbm>> -> memref<640xf32, #tpu.memory_space<hbm>>
      %dma_wait3A_34 = tpu.memref_slice %arg3[%arg0, %mul3A_29] : memref<2x10240xf32, #tpu.memory_space<hbm>> -> memref<1x640xf32, #tpu.memory_space<hbm>>
      %dma_wait3A_35 = tpu.memref_squeeze %dma_wait3A_34 : memref<1x640xf32, #tpu.memory_space<hbm>> -> memref<640xf32, #tpu.memory_space<hbm>>
      tpu.wait_dma2 semaphore(%run_scoped3A : memref<!tpu.dma_semaphore, #tpu.memory_space<semaphore_mem>>) src(%arg6 : memref<640xf32, #tpu.memory_space<vmem>>) dst(%dma_wait3A_35 : memref<640xf32, #tpu.memory_space<hbm>>)
      tpu.yield
    }) : () -> ()
    return
  }
}

#map = affine_map<(d0, d1) -> (0, 0)>
#map1 = affine_map<(d0, d1) -> (0)>
#map2 = affine_map<(d0, d1) -> (0, 0, 0)>
module attributes {stable_mosaic.version = 14 : i64} {
  func.func @_prop_body(%arg0: i32, %arg1: i32, %arg2: memref<10240x128xf32, #tpu.memory_space<hbm>>, %arg3: memref<323584xi32, #tpu.memory_space<hbm>>, %arg4: memref<323584xi32, #tpu.memory_space<hbm>>, %arg5: memref<128x128xf32, #tpu.memory_space<hbm>>, %arg6: memref<2x10240x128xf32, #tpu.memory_space<hbm>>, %arg7: memref<128xi32, #tpu.memory_space<vmem>>, %arg8: memref<128xi32, #tpu.memory_space<vmem>>, %arg9: memref<128x128xf32, #tpu.memory_space<vmem>>, %arg10: memref<10240x128xf32, #tpu.memory_space<vmem_shared>>, %arg11: memref<!tpu.dma_semaphore, #tpu.memory_space<semaphore_mem>>) attributes {dimension_semantics = [#tpu.dimension_semantics<core_parallel>, #tpu.dimension_semantics<subcore_parallel>], iteration_bounds = array<i64: 2, 16>, scalar_prefetch = 0 : i64, scratch_operands = 5 : i64, tpu.core_type = #tpu.core_type<sc_vector_subcore>, window_params = [{transform_indices = #map}, {transform_indices = #map1}, {transform_indices = #map1}, {transform_indices = #map}, {transform_indices = #map2}]} {
    %mul3A = arith.constant 16 : i32
    %mul3A_0 = arith.muli %arg0, %mul3A : i32
    %add3A = arith.addi %mul3A_0, %arg1 : i32
    "tpu.region"() ({
      %run_scoped3A = tpu.sem_alloc : memref<!tpu.dma_semaphore, #tpu.memory_space<semaphore_mem>>
      tpu.enqueue_dma source(%arg5 : memref<128x128xf32, #tpu.memory_space<hbm>>) target(%arg9 : memref<128x128xf32, #tpu.memory_space<vmem>>) target_semaphore(%run_scoped3A : memref<!tpu.dma_semaphore, #tpu.memory_space<semaphore_mem>>)
      tpu.wait_dma2 semaphore(%run_scoped3A : memref<!tpu.dma_semaphore, #tpu.memory_space<semaphore_mem>>) src(%arg5 : memref<128x128xf32, #tpu.memory_space<hbm>>) dst(%arg9 : memref<128x128xf32, #tpu.memory_space<vmem>>)
      tpu.yield
    }) : () -> ()
    %mul3A_1 = arith.constant 640 : i32
    %mul3A_2 = arith.muli %arg1, %mul3A_1 : i32
    %add3A_3 = arith.constant 0 : i32
    %add3A_4 = arith.addi %mul3A_2, %add3A_3 : i32
    "tpu.region"() ({
      %run_scoped3A = tpu.sem_alloc : memref<!tpu.dma_semaphore, #tpu.memory_space<semaphore_mem>>
      %dma_start3A = arith.constant 0 : i32
      %dma_start3A_37 = tpu.memref_slice %arg10[%add3A_4, %dma_start3A] : memref<10240x128xf32, #tpu.memory_space<vmem_shared>> -> memref<128x128xf32, #tpu.memory_space<vmem_shared>>
      %dma_start3A_38 = arith.constant 0 : i32
      %dma_start3A_39 = tpu.memref_slice %arg10[%add3A_4, %dma_start3A_38] : memref<10240x128xf32, #tpu.memory_space<vmem_shared>> -> memref<128x128xf32, #tpu.memory_space<vmem_shared>>
      tpu.enqueue_dma source(%arg9 : memref<128x128xf32, #tpu.memory_space<vmem>>) target(%dma_start3A_39 : memref<128x128xf32, #tpu.memory_space<vmem_shared>>) target_semaphore(%run_scoped3A : memref<!tpu.dma_semaphore, #tpu.memory_space<semaphore_mem>>)
      %dma_wait3A = arith.constant 0 : i32
      %dma_wait3A_40 = tpu.memref_slice %arg10[%add3A_4, %dma_wait3A] : memref<10240x128xf32, #tpu.memory_space<vmem_shared>> -> memref<128x128xf32, #tpu.memory_space<vmem_shared>>
      %dma_wait3A_41 = arith.constant 0 : i32
      %dma_wait3A_42 = tpu.memref_slice %arg10[%add3A_4, %dma_wait3A_41] : memref<10240x128xf32, #tpu.memory_space<vmem_shared>> -> memref<128x128xf32, #tpu.memory_space<vmem_shared>>
      tpu.wait_dma2 semaphore(%run_scoped3A : memref<!tpu.dma_semaphore, #tpu.memory_space<semaphore_mem>>) src(%arg9 : memref<128x128xf32, #tpu.memory_space<vmem>>) dst(%dma_wait3A_42 : memref<128x128xf32, #tpu.memory_space<vmem_shared>>)
      tpu.yield
    }) : () -> ()
    %mul3A_5 = arith.constant 640 : i32
    %mul3A_6 = arith.muli %arg1, %mul3A_5 : i32
    %add3A_7 = arith.constant 128 : i32
    %add3A_8 = arith.addi %mul3A_6, %add3A_7 : i32
    "tpu.region"() ({
      %run_scoped3A = tpu.sem_alloc : memref<!tpu.dma_semaphore, #tpu.memory_space<semaphore_mem>>
      %dma_start3A = arith.constant 0 : i32
      %dma_start3A_37 = tpu.memref_slice %arg10[%add3A_8, %dma_start3A] : memref<10240x128xf32, #tpu.memory_space<vmem_shared>> -> memref<128x128xf32, #tpu.memory_space<vmem_shared>>
      %dma_start3A_38 = arith.constant 0 : i32
      %dma_start3A_39 = tpu.memref_slice %arg10[%add3A_8, %dma_start3A_38] : memref<10240x128xf32, #tpu.memory_space<vmem_shared>> -> memref<128x128xf32, #tpu.memory_space<vmem_shared>>
      tpu.enqueue_dma source(%arg9 : memref<128x128xf32, #tpu.memory_space<vmem>>) target(%dma_start3A_39 : memref<128x128xf32, #tpu.memory_space<vmem_shared>>) target_semaphore(%run_scoped3A : memref<!tpu.dma_semaphore, #tpu.memory_space<semaphore_mem>>)
      %dma_wait3A = arith.constant 0 : i32
      %dma_wait3A_40 = tpu.memref_slice %arg10[%add3A_8, %dma_wait3A] : memref<10240x128xf32, #tpu.memory_space<vmem_shared>> -> memref<128x128xf32, #tpu.memory_space<vmem_shared>>
      %dma_wait3A_41 = arith.constant 0 : i32
      %dma_wait3A_42 = tpu.memref_slice %arg10[%add3A_8, %dma_wait3A_41] : memref<10240x128xf32, #tpu.memory_space<vmem_shared>> -> memref<128x128xf32, #tpu.memory_space<vmem_shared>>
      tpu.wait_dma2 semaphore(%run_scoped3A : memref<!tpu.dma_semaphore, #tpu.memory_space<semaphore_mem>>) src(%arg9 : memref<128x128xf32, #tpu.memory_space<vmem>>) dst(%dma_wait3A_42 : memref<128x128xf32, #tpu.memory_space<vmem_shared>>)
      tpu.yield
    }) : () -> ()
    %mul3A_9 = arith.constant 640 : i32
    %mul3A_10 = arith.muli %arg1, %mul3A_9 : i32
    %add3A_11 = arith.constant 256 : i32
    %add3A_12 = arith.addi %mul3A_10, %add3A_11 : i32
    "tpu.region"() ({
      %run_scoped3A = tpu.sem_alloc : memref<!tpu.dma_semaphore, #tpu.memory_space<semaphore_mem>>
      %dma_start3A = arith.constant 0 : i32
      %dma_start3A_37 = tpu.memref_slice %arg10[%add3A_12, %dma_start3A] : memref<10240x128xf32, #tpu.memory_space<vmem_shared>> -> memref<128x128xf32, #tpu.memory_space<vmem_shared>>
      %dma_start3A_38 = arith.constant 0 : i32
      %dma_start3A_39 = tpu.memref_slice %arg10[%add3A_12, %dma_start3A_38] : memref<10240x128xf32, #tpu.memory_space<vmem_shared>> -> memref<128x128xf32, #tpu.memory_space<vmem_shared>>
      tpu.enqueue_dma source(%arg9 : memref<128x128xf32, #tpu.memory_space<vmem>>) target(%dma_start3A_39 : memref<128x128xf32, #tpu.memory_space<vmem_shared>>) target_semaphore(%run_scoped3A : memref<!tpu.dma_semaphore, #tpu.memory_space<semaphore_mem>>)
      %dma_wait3A = arith.constant 0 : i32
      %dma_wait3A_40 = tpu.memref_slice %arg10[%add3A_12, %dma_wait3A] : memref<10240x128xf32, #tpu.memory_space<vmem_shared>> -> memref<128x128xf32, #tpu.memory_space<vmem_shared>>
      %dma_wait3A_41 = arith.constant 0 : i32
      %dma_wait3A_42 = tpu.memref_slice %arg10[%add3A_12, %dma_wait3A_41] : memref<10240x128xf32, #tpu.memory_space<vmem_shared>> -> memref<128x128xf32, #tpu.memory_space<vmem_shared>>
      tpu.wait_dma2 semaphore(%run_scoped3A : memref<!tpu.dma_semaphore, #tpu.memory_space<semaphore_mem>>) src(%arg9 : memref<128x128xf32, #tpu.memory_space<vmem>>) dst(%dma_wait3A_42 : memref<128x128xf32, #tpu.memory_space<vmem_shared>>)
      tpu.yield
    }) : () -> ()
    %mul3A_13 = arith.constant 640 : i32
    %mul3A_14 = arith.muli %arg1, %mul3A_13 : i32
    %add3A_15 = arith.constant 384 : i32
    %add3A_16 = arith.addi %mul3A_14, %add3A_15 : i32
    "tpu.region"() ({
      %run_scoped3A = tpu.sem_alloc : memref<!tpu.dma_semaphore, #tpu.memory_space<semaphore_mem>>
      %dma_start3A = arith.constant 0 : i32
      %dma_start3A_37 = tpu.memref_slice %arg10[%add3A_16, %dma_start3A] : memref<10240x128xf32, #tpu.memory_space<vmem_shared>> -> memref<128x128xf32, #tpu.memory_space<vmem_shared>>
      %dma_start3A_38 = arith.constant 0 : i32
      %dma_start3A_39 = tpu.memref_slice %arg10[%add3A_16, %dma_start3A_38] : memref<10240x128xf32, #tpu.memory_space<vmem_shared>> -> memref<128x128xf32, #tpu.memory_space<vmem_shared>>
      tpu.enqueue_dma source(%arg9 : memref<128x128xf32, #tpu.memory_space<vmem>>) target(%dma_start3A_39 : memref<128x128xf32, #tpu.memory_space<vmem_shared>>) target_semaphore(%run_scoped3A : memref<!tpu.dma_semaphore, #tpu.memory_space<semaphore_mem>>)
      %dma_wait3A = arith.constant 0 : i32
      %dma_wait3A_40 = tpu.memref_slice %arg10[%add3A_16, %dma_wait3A] : memref<10240x128xf32, #tpu.memory_space<vmem_shared>> -> memref<128x128xf32, #tpu.memory_space<vmem_shared>>
      %dma_wait3A_41 = arith.constant 0 : i32
      %dma_wait3A_42 = tpu.memref_slice %arg10[%add3A_16, %dma_wait3A_41] : memref<10240x128xf32, #tpu.memory_space<vmem_shared>> -> memref<128x128xf32, #tpu.memory_space<vmem_shared>>
      tpu.wait_dma2 semaphore(%run_scoped3A : memref<!tpu.dma_semaphore, #tpu.memory_space<semaphore_mem>>) src(%arg9 : memref<128x128xf32, #tpu.memory_space<vmem>>) dst(%dma_wait3A_42 : memref<128x128xf32, #tpu.memory_space<vmem_shared>>)
      tpu.yield
    }) : () -> ()
    %mul3A_17 = arith.constant 640 : i32
    %mul3A_18 = arith.muli %arg1, %mul3A_17 : i32
    %add3A_19 = arith.constant 512 : i32
    %add3A_20 = arith.addi %mul3A_18, %add3A_19 : i32
    "tpu.region"() ({
      %run_scoped3A = tpu.sem_alloc : memref<!tpu.dma_semaphore, #tpu.memory_space<semaphore_mem>>
      %dma_start3A = arith.constant 0 : i32
      %dma_start3A_37 = tpu.memref_slice %arg10[%add3A_20, %dma_start3A] : memref<10240x128xf32, #tpu.memory_space<vmem_shared>> -> memref<128x128xf32, #tpu.memory_space<vmem_shared>>
      %dma_start3A_38 = arith.constant 0 : i32
      %dma_start3A_39 = tpu.memref_slice %arg10[%add3A_20, %dma_start3A_38] : memref<10240x128xf32, #tpu.memory_space<vmem_shared>> -> memref<128x128xf32, #tpu.memory_space<vmem_shared>>
      tpu.enqueue_dma source(%arg9 : memref<128x128xf32, #tpu.memory_space<vmem>>) target(%dma_start3A_39 : memref<128x128xf32, #tpu.memory_space<vmem_shared>>) target_semaphore(%run_scoped3A : memref<!tpu.dma_semaphore, #tpu.memory_space<semaphore_mem>>)
      %dma_wait3A = arith.constant 0 : i32
      %dma_wait3A_40 = tpu.memref_slice %arg10[%add3A_20, %dma_wait3A] : memref<10240x128xf32, #tpu.memory_space<vmem_shared>> -> memref<128x128xf32, #tpu.memory_space<vmem_shared>>
      %dma_wait3A_41 = arith.constant 0 : i32
      %dma_wait3A_42 = tpu.memref_slice %arg10[%add3A_20, %dma_wait3A_41] : memref<10240x128xf32, #tpu.memory_space<vmem_shared>> -> memref<128x128xf32, #tpu.memory_space<vmem_shared>>
      tpu.wait_dma2 semaphore(%run_scoped3A : memref<!tpu.dma_semaphore, #tpu.memory_space<semaphore_mem>>) src(%arg9 : memref<128x128xf32, #tpu.memory_space<vmem>>) dst(%dma_wait3A_42 : memref<128x128xf32, #tpu.memory_space<vmem_shared>>)
      tpu.yield
    }) : () -> ()
    %barrier3A = arith.constant 0 : index
    tpu.barrier barrier_id(%barrier3A)
    %mul3A_21 = arith.constant 10112 : i32
    %mul3A_22 = arith.muli %add3A, %mul3A_21 : i32
    %scan3A = arith.constant 0 : i32
    %scan3A_23 = arith.constant 0 : i32
    %scan3A_24 = arith.constant 79 : i32
    %scan3A_25 = arith.addi %scan3A_23, %scan3A_24 : i32
    %scan3A_26 = arith.constant 1 : i32
    %scan3A_27 = scf.for %scan3A_37 = %scan3A_23 to %scan3A_25 step %scan3A_26 iter_args(%scan3A_38 = %scan3A) -> (i32)  : i32 {
      %mul3A_39 = arith.constant 128 : i32
      %mul3A_40 = arith.muli %scan3A_37, %mul3A_39 : i32
      %add3A_41 = arith.addi %mul3A_22, %mul3A_40 : i32
      "tpu.region"() ({
        %run_scoped3A = tpu.sem_alloc : memref<!tpu.dma_semaphore, #tpu.memory_space<semaphore_mem>>
        %dma_start3A_47 = tpu.memref_slice %arg3[%add3A_41] : memref<323584xi32, #tpu.memory_space<hbm>> -> memref<128xi32, #tpu.memory_space<hbm>>
        %dma_start3A_48 = tpu.memref_slice %arg3[%add3A_41] : memref<323584xi32, #tpu.memory_space<hbm>> -> memref<128xi32, #tpu.memory_space<hbm>>
        tpu.enqueue_dma source(%dma_start3A_48 : memref<128xi32, #tpu.memory_space<hbm>>) target(%arg7 : memref<128xi32, #tpu.memory_space<vmem>>) target_semaphore(%run_scoped3A : memref<!tpu.dma_semaphore, #tpu.memory_space<semaphore_mem>>)
        %dma_wait3A_49 = tpu.memref_slice %arg3[%add3A_41] : memref<323584xi32, #tpu.memory_space<hbm>> -> memref<128xi32, #tpu.memory_space<hbm>>
        %dma_wait3A_50 = tpu.memref_slice %arg3[%add3A_41] : memref<323584xi32, #tpu.memory_space<hbm>> -> memref<128xi32, #tpu.memory_space<hbm>>
        tpu.wait_dma2 semaphore(%run_scoped3A : memref<!tpu.dma_semaphore, #tpu.memory_space<semaphore_mem>>) src(%dma_wait3A_50 : memref<128xi32, #tpu.memory_space<hbm>>) dst(%arg7 : memref<128xi32, #tpu.memory_space<vmem>>)
        tpu.yield
      }) : () -> ()
      "tpu.region"() ({
        %run_scoped3A = tpu.sem_alloc : memref<!tpu.dma_semaphore, #tpu.memory_space<semaphore_mem>>
        %dma_start3A_47 = tpu.memref_slice %arg4[%add3A_41] : memref<323584xi32, #tpu.memory_space<hbm>> -> memref<128xi32, #tpu.memory_space<hbm>>
        %dma_start3A_48 = tpu.memref_slice %arg4[%add3A_41] : memref<323584xi32, #tpu.memory_space<hbm>> -> memref<128xi32, #tpu.memory_space<hbm>>
        tpu.enqueue_dma source(%dma_start3A_48 : memref<128xi32, #tpu.memory_space<hbm>>) target(%arg8 : memref<128xi32, #tpu.memory_space<vmem>>) target_semaphore(%run_scoped3A : memref<!tpu.dma_semaphore, #tpu.memory_space<semaphore_mem>>)
        %dma_wait3A_49 = tpu.memref_slice %arg4[%add3A_41] : memref<323584xi32, #tpu.memory_space<hbm>> -> memref<128xi32, #tpu.memory_space<hbm>>
        %dma_wait3A_50 = tpu.memref_slice %arg4[%add3A_41] : memref<323584xi32, #tpu.memory_space<hbm>> -> memref<128xi32, #tpu.memory_space<hbm>>
        tpu.wait_dma2 semaphore(%run_scoped3A : memref<!tpu.dma_semaphore, #tpu.memory_space<semaphore_mem>>) src(%dma_wait3A_50 : memref<128xi32, #tpu.memory_space<hbm>>) dst(%arg8 : memref<128xi32, #tpu.memory_space<vmem>>)
        tpu.yield
      }) : () -> ()
      %dma_start3A = arith.constant 0 : i32
      %dma_start3A_42 = arith.constant 0 : i32
      %dma_start3A_43 = tpu.memref_slice %arg2[%dma_start3A, %dma_start3A_42] : memref<10240x128xf32, #tpu.memory_space<hbm>> -> memref<10240x128xf32, #tpu.memory_space<hbm>>
      tpu.enqueue_indirect_dma source(%dma_start3A_43 : memref<10240x128xf32, #tpu.memory_space<hbm>>) target(%arg9 : memref<128x128xf32, #tpu.memory_space<vmem>>) offsets(%arg7 : memref<128xi32, #tpu.memory_space<vmem>>) semaphore(%arg11 : memref<!tpu.dma_semaphore, #tpu.memory_space<semaphore_mem>>)
      %dma_wait3A = arith.constant 0 : i32
      %dma_wait3A_44 = arith.constant 0 : i32
      %dma_wait3A_45 = tpu.memref_slice %arg2[%dma_wait3A, %dma_wait3A_44] : memref<10240x128xf32, #tpu.memory_space<hbm>> -> memref<10240x128xf32, #tpu.memory_space<hbm>>
      tpu.wait_indirect_dma semaphore(%arg11 : memref<!tpu.dma_semaphore, #tpu.memory_space<semaphore_mem>>) src(%dma_wait3A_45 : memref<10240x128xf32, #tpu.memory_space<hbm>>) dst(%arg9 : memref<128x128xf32, #tpu.memory_space<vmem>>)
      "tpu.region"() ({
        %run_scoped3A = tpu.sem_alloc : memref<!tpu.dma_semaphore, #tpu.memory_space<semaphore_mem>>
        %dma_start3A_47 = arith.constant 0 : i32
        %dma_start3A_48 = arith.constant 0 : i32
        %dma_start3A_49 = tpu.memref_slice %arg10[%dma_start3A_47, %dma_start3A_48] : memref<10240x128xf32, #tpu.memory_space<vmem_shared>> -> memref<10240x128xf32, #tpu.memory_space<vmem_shared>>
        tpu.enqueue_indirect_dma source(%arg9 : memref<128x128xf32, #tpu.memory_space<vmem>>) target(%dma_start3A_49 : memref<10240x128xf32, #tpu.memory_space<vmem_shared>>) offsets(%arg8 : memref<128xi32, #tpu.memory_space<vmem>>) semaphore(%run_scoped3A : memref<!tpu.dma_semaphore, #tpu.memory_space<semaphore_mem>>) {add = true}
        %dma_wait3A_50 = arith.constant 0 : i32
        %dma_wait3A_51 = arith.constant 0 : i32
        %dma_wait3A_52 = tpu.memref_slice %arg10[%dma_wait3A_50, %dma_wait3A_51] : memref<10240x128xf32, #tpu.memory_space<vmem_shared>> -> memref<10240x128xf32, #tpu.memory_space<vmem_shared>>
        tpu.wait_indirect_dma semaphore(%run_scoped3A : memref<!tpu.dma_semaphore, #tpu.memory_space<semaphore_mem>>) src(%arg9 : memref<128x128xf32, #tpu.memory_space<vmem>>) dst(%dma_wait3A_52 : memref<10240x128xf32, #tpu.memory_space<vmem_shared>>)
        tpu.yield
      }) : () -> ()
      %scan3A_46 = arith.constant 0 : i32
      scf.yield %scan3A_46 : i32
    }
    %scan3A_28 = arith.constant 79 : i32
    %barrier3A_29 = arith.constant 0 : index
    tpu.barrier barrier_id(%barrier3A_29)
    %scan3A_30 = arith.constant 0 : i32
    %scan3A_31 = arith.constant 0 : i32
    %scan3A_32 = arith.constant 5 : i32
    %scan3A_33 = arith.addi %scan3A_31, %scan3A_32 : i32
    %scan3A_34 = arith.constant 1 : i32
    %scan3A_35 = scf.for %scan3A_37 = %scan3A_31 to %scan3A_33 step %scan3A_34 iter_args(%scan3A_38 = %scan3A_30) -> (i32)  : i32 {
      %mul3A_39 = arith.constant 640 : i32
      %mul3A_40 = arith.muli %arg1, %mul3A_39 : i32
      %mul3A_41 = arith.constant 128 : i32
      %mul3A_42 = arith.muli %scan3A_37, %mul3A_41 : i32
      %add3A_43 = arith.addi %mul3A_40, %mul3A_42 : i32
      "tpu.region"() ({
        %run_scoped3A = tpu.sem_alloc : memref<!tpu.dma_semaphore, #tpu.memory_space<semaphore_mem>>
        %dma_start3A = arith.constant 0 : i32
        %dma_start3A_45 = tpu.memref_slice %arg10[%add3A_43, %dma_start3A] : memref<10240x128xf32, #tpu.memory_space<vmem_shared>> -> memref<128x128xf32, #tpu.memory_space<vmem_shared>>
        %dma_start3A_46 = arith.constant 0 : i32
        %dma_start3A_47 = tpu.memref_slice %arg10[%add3A_43, %dma_start3A_46] : memref<10240x128xf32, #tpu.memory_space<vmem_shared>> -> memref<128x128xf32, #tpu.memory_space<vmem_shared>>
        tpu.enqueue_dma source(%dma_start3A_47 : memref<128x128xf32, #tpu.memory_space<vmem_shared>>) target(%arg9 : memref<128x128xf32, #tpu.memory_space<vmem>>) target_semaphore(%run_scoped3A : memref<!tpu.dma_semaphore, #tpu.memory_space<semaphore_mem>>)
        %dma_wait3A = arith.constant 0 : i32
        %dma_wait3A_48 = tpu.memref_slice %arg10[%add3A_43, %dma_wait3A] : memref<10240x128xf32, #tpu.memory_space<vmem_shared>> -> memref<128x128xf32, #tpu.memory_space<vmem_shared>>
        %dma_wait3A_49 = arith.constant 0 : i32
        %dma_wait3A_50 = tpu.memref_slice %arg10[%add3A_43, %dma_wait3A_49] : memref<10240x128xf32, #tpu.memory_space<vmem_shared>> -> memref<128x128xf32, #tpu.memory_space<vmem_shared>>
        tpu.wait_dma2 semaphore(%run_scoped3A : memref<!tpu.dma_semaphore, #tpu.memory_space<semaphore_mem>>) src(%dma_wait3A_50 : memref<128x128xf32, #tpu.memory_space<vmem_shared>>) dst(%arg9 : memref<128x128xf32, #tpu.memory_space<vmem>>)
        tpu.yield
      }) : () -> ()
      "tpu.region"() ({
        %run_scoped3A = tpu.sem_alloc : memref<!tpu.dma_semaphore, #tpu.memory_space<semaphore_mem>>
        %dma_start3A = arith.constant 0 : i32
        %dma_start3A_45 = tpu.memref_slice %arg6[%arg0, %add3A_43, %dma_start3A] : memref<2x10240x128xf32, #tpu.memory_space<hbm>> -> memref<1x128x128xf32, #tpu.memory_space<hbm>>
        %dma_start3A_46 = tpu.memref_squeeze %dma_start3A_45 : memref<1x128x128xf32, #tpu.memory_space<hbm>> -> memref<128x128xf32, #tpu.memory_space<hbm>>
        %dma_start3A_47 = arith.constant 0 : i32
        %dma_start3A_48 = tpu.memref_slice %arg6[%arg0, %add3A_43, %dma_start3A_47] : memref<2x10240x128xf32, #tpu.memory_space<hbm>> -> memref<1x128x128xf32, #tpu.memory_space<hbm>>
        %dma_start3A_49 = tpu.memref_squeeze %dma_start3A_48 : memref<1x128x128xf32, #tpu.memory_space<hbm>> -> memref<128x128xf32, #tpu.memory_space<hbm>>
        tpu.enqueue_dma source(%arg9 : memref<128x128xf32, #tpu.memory_space<vmem>>) target(%dma_start3A_49 : memref<128x128xf32, #tpu.memory_space<hbm>>) target_semaphore(%run_scoped3A : memref<!tpu.dma_semaphore, #tpu.memory_space<semaphore_mem>>)
        %dma_wait3A = arith.constant 0 : i32
        %dma_wait3A_50 = tpu.memref_slice %arg6[%arg0, %add3A_43, %dma_wait3A] : memref<2x10240x128xf32, #tpu.memory_space<hbm>> -> memref<1x128x128xf32, #tpu.memory_space<hbm>>
        %dma_wait3A_51 = tpu.memref_squeeze %dma_wait3A_50 : memref<1x128x128xf32, #tpu.memory_space<hbm>> -> memref<128x128xf32, #tpu.memory_space<hbm>>
        %dma_wait3A_52 = arith.constant 0 : i32
        %dma_wait3A_53 = tpu.memref_slice %arg6[%arg0, %add3A_43, %dma_wait3A_52] : memref<2x10240x128xf32, #tpu.memory_space<hbm>> -> memref<1x128x128xf32, #tpu.memory_space<hbm>>
        %dma_wait3A_54 = tpu.memref_squeeze %dma_wait3A_53 : memref<1x128x128xf32, #tpu.memory_space<hbm>> -> memref<128x128xf32, #tpu.memory_space<hbm>>
        tpu.wait_dma2 semaphore(%run_scoped3A : memref<!tpu.dma_semaphore, #tpu.memory_space<semaphore_mem>>) src(%arg9 : memref<128x128xf32, #tpu.memory_space<vmem>>) dst(%dma_wait3A_54 : memref<128x128xf32, #tpu.memory_space<hbm>>)
        tpu.yield
      }) : () -> ()
      %scan3A_44 = arith.constant 0 : i32
      scf.yield %scan3A_44 : i32
    }
    %scan3A_36 = arith.constant 5 : i32
    return
  }
}

#map = affine_map<(d0, d1) -> (0, 0)>
#map1 = affine_map<(d0, d1) -> (0)>
#map2 = affine_map<(d0, d1) -> (0, 0, 0)>
module attributes {stable_mosaic.version = 14 : i64} {
  func.func @_prop_body(%arg0: i32, %arg1: i32, %arg2: memref<10240x128xf32, #tpu.memory_space<hbm>>, %arg3: memref<323584xi32, #tpu.memory_space<hbm>>, %arg4: memref<323584xi32, #tpu.memory_space<hbm>>, %arg5: memref<128x128xf32, #tpu.memory_space<hbm>>, %arg6: memref<2x10240x128xf32, #tpu.memory_space<hbm>>, %arg7: memref<128xi32, #tpu.memory_space<vmem>>, %arg8: memref<128xi32, #tpu.memory_space<vmem>>, %arg9: memref<128x128xf32, #tpu.memory_space<vmem>>, %arg10: memref<10240x128xf32, #tpu.memory_space<vmem_shared>>, %arg11: memref<!tpu.dma_semaphore, #tpu.memory_space<semaphore_mem>>) attributes {dimension_semantics = [#tpu.dimension_semantics<core_parallel>, #tpu.dimension_semantics<subcore_parallel>], iteration_bounds = array<i64: 2, 16>, scalar_prefetch = 0 : i64, scratch_operands = 5 : i64, tpu.core_type = #tpu.core_type<sc_vector_subcore>, window_params = [{transform_indices = #map}, {transform_indices = #map1}, {transform_indices = #map1}, {transform_indices = #map}, {transform_indices = #map2}]} {
    %mul3A = arith.constant 16 : i32
    %mul3A_0 = arith.muli %arg0, %mul3A : i32
    %add3A = arith.addi %mul3A_0, %arg1 : i32
    "tpu.region"() ({
      %run_scoped3A = tpu.sem_alloc : memref<!tpu.dma_semaphore, #tpu.memory_space<semaphore_mem>>
      tpu.enqueue_dma source(%arg5 : memref<128x128xf32, #tpu.memory_space<hbm>>) target(%arg9 : memref<128x128xf32, #tpu.memory_space<vmem>>) target_semaphore(%run_scoped3A : memref<!tpu.dma_semaphore, #tpu.memory_space<semaphore_mem>>)
      tpu.wait_dma2 semaphore(%run_scoped3A : memref<!tpu.dma_semaphore, #tpu.memory_space<semaphore_mem>>) src(%arg5 : memref<128x128xf32, #tpu.memory_space<hbm>>) dst(%arg9 : memref<128x128xf32, #tpu.memory_space<vmem>>)
      tpu.yield
    }) : () -> ()
    %mul3A_1 = arith.constant 640 : i32
    %mul3A_2 = arith.muli %arg1, %mul3A_1 : i32
    %add3A_3 = arith.constant 0 : i32
    %add3A_4 = arith.addi %mul3A_2, %add3A_3 : i32
    "tpu.region"() ({
      %run_scoped3A = tpu.sem_alloc : memref<!tpu.dma_semaphore, #tpu.memory_space<semaphore_mem>>
      %dma_start3A = arith.constant 0 : i32
      %dma_start3A_37 = tpu.memref_slice %arg10[%add3A_4, %dma_start3A] : memref<10240x128xf32, #tpu.memory_space<vmem_shared>> -> memref<128x128xf32, #tpu.memory_space<vmem_shared>>
      %dma_start3A_38 = arith.constant 0 : i32
      %dma_start3A_39 = tpu.memref_slice %arg10[%add3A_4, %dma_start3A_38] : memref<10240x128xf32, #tpu.memory_space<vmem_shared>> -> memref<128x128xf32, #tpu.memory_space<vmem_shared>>
      tpu.enqueue_dma source(%arg9 : memref<128x128xf32, #tpu.memory_space<vmem>>) target(%dma_start3A_39 : memref<128x128xf32, #tpu.memory_space<vmem_shared>>) target_semaphore(%run_scoped3A : memref<!tpu.dma_semaphore, #tpu.memory_space<semaphore_mem>>)
      %dma_wait3A = arith.constant 0 : i32
      %dma_wait3A_40 = tpu.memref_slice %arg10[%add3A_4, %dma_wait3A] : memref<10240x128xf32, #tpu.memory_space<vmem_shared>> -> memref<128x128xf32, #tpu.memory_space<vmem_shared>>
      %dma_wait3A_41 = arith.constant 0 : i32
      %dma_wait3A_42 = tpu.memref_slice %arg10[%add3A_4, %dma_wait3A_41] : memref<10240x128xf32, #tpu.memory_space<vmem_shared>> -> memref<128x128xf32, #tpu.memory_space<vmem_shared>>
      tpu.wait_dma2 semaphore(%run_scoped3A : memref<!tpu.dma_semaphore, #tpu.memory_space<semaphore_mem>>) src(%arg9 : memref<128x128xf32, #tpu.memory_space<vmem>>) dst(%dma_wait3A_42 : memref<128x128xf32, #tpu.memory_space<vmem_shared>>)
      tpu.yield
    }) : () -> ()
    %mul3A_5 = arith.constant 640 : i32
    %mul3A_6 = arith.muli %arg1, %mul3A_5 : i32
    %add3A_7 = arith.constant 128 : i32
    %add3A_8 = arith.addi %mul3A_6, %add3A_7 : i32
    "tpu.region"() ({
      %run_scoped3A = tpu.sem_alloc : memref<!tpu.dma_semaphore, #tpu.memory_space<semaphore_mem>>
      %dma_start3A = arith.constant 0 : i32
      %dma_start3A_37 = tpu.memref_slice %arg10[%add3A_8, %dma_start3A] : memref<10240x128xf32, #tpu.memory_space<vmem_shared>> -> memref<128x128xf32, #tpu.memory_space<vmem_shared>>
      %dma_start3A_38 = arith.constant 0 : i32
      %dma_start3A_39 = tpu.memref_slice %arg10[%add3A_8, %dma_start3A_38] : memref<10240x128xf32, #tpu.memory_space<vmem_shared>> -> memref<128x128xf32, #tpu.memory_space<vmem_shared>>
      tpu.enqueue_dma source(%arg9 : memref<128x128xf32, #tpu.memory_space<vmem>>) target(%dma_start3A_39 : memref<128x128xf32, #tpu.memory_space<vmem_shared>>) target_semaphore(%run_scoped3A : memref<!tpu.dma_semaphore, #tpu.memory_space<semaphore_mem>>)
      %dma_wait3A = arith.constant 0 : i32
      %dma_wait3A_40 = tpu.memref_slice %arg10[%add3A_8, %dma_wait3A] : memref<10240x128xf32, #tpu.memory_space<vmem_shared>> -> memref<128x128xf32, #tpu.memory_space<vmem_shared>>
      %dma_wait3A_41 = arith.constant 0 : i32
      %dma_wait3A_42 = tpu.memref_slice %arg10[%add3A_8, %dma_wait3A_41] : memref<10240x128xf32, #tpu.memory_space<vmem_shared>> -> memref<128x128xf32, #tpu.memory_space<vmem_shared>>
      tpu.wait_dma2 semaphore(%run_scoped3A : memref<!tpu.dma_semaphore, #tpu.memory_space<semaphore_mem>>) src(%arg9 : memref<128x128xf32, #tpu.memory_space<vmem>>) dst(%dma_wait3A_42 : memref<128x128xf32, #tpu.memory_space<vmem_shared>>)
      tpu.yield
    }) : () -> ()
    %mul3A_9 = arith.constant 640 : i32
    %mul3A_10 = arith.muli %arg1, %mul3A_9 : i32
    %add3A_11 = arith.constant 256 : i32
    %add3A_12 = arith.addi %mul3A_10, %add3A_11 : i32
    "tpu.region"() ({
      %run_scoped3A = tpu.sem_alloc : memref<!tpu.dma_semaphore, #tpu.memory_space<semaphore_mem>>
      %dma_start3A = arith.constant 0 : i32
      %dma_start3A_37 = tpu.memref_slice %arg10[%add3A_12, %dma_start3A] : memref<10240x128xf32, #tpu.memory_space<vmem_shared>> -> memref<128x128xf32, #tpu.memory_space<vmem_shared>>
      %dma_start3A_38 = arith.constant 0 : i32
      %dma_start3A_39 = tpu.memref_slice %arg10[%add3A_12, %dma_start3A_38] : memref<10240x128xf32, #tpu.memory_space<vmem_shared>> -> memref<128x128xf32, #tpu.memory_space<vmem_shared>>
      tpu.enqueue_dma source(%arg9 : memref<128x128xf32, #tpu.memory_space<vmem>>) target(%dma_start3A_39 : memref<128x128xf32, #tpu.memory_space<vmem_shared>>) target_semaphore(%run_scoped3A : memref<!tpu.dma_semaphore, #tpu.memory_space<semaphore_mem>>)
      %dma_wait3A = arith.constant 0 : i32
      %dma_wait3A_40 = tpu.memref_slice %arg10[%add3A_12, %dma_wait3A] : memref<10240x128xf32, #tpu.memory_space<vmem_shared>> -> memref<128x128xf32, #tpu.memory_space<vmem_shared>>
      %dma_wait3A_41 = arith.constant 0 : i32
      %dma_wait3A_42 = tpu.memref_slice %arg10[%add3A_12, %dma_wait3A_41] : memref<10240x128xf32, #tpu.memory_space<vmem_shared>> -> memref<128x128xf32, #tpu.memory_space<vmem_shared>>
      tpu.wait_dma2 semaphore(%run_scoped3A : memref<!tpu.dma_semaphore, #tpu.memory_space<semaphore_mem>>) src(%arg9 : memref<128x128xf32, #tpu.memory_space<vmem>>) dst(%dma_wait3A_42 : memref<128x128xf32, #tpu.memory_space<vmem_shared>>)
      tpu.yield
    }) : () -> ()
    %mul3A_13 = arith.constant 640 : i32
    %mul3A_14 = arith.muli %arg1, %mul3A_13 : i32
    %add3A_15 = arith.constant 384 : i32
    %add3A_16 = arith.addi %mul3A_14, %add3A_15 : i32
    "tpu.region"() ({
      %run_scoped3A = tpu.sem_alloc : memref<!tpu.dma_semaphore, #tpu.memory_space<semaphore_mem>>
      %dma_start3A = arith.constant 0 : i32
      %dma_start3A_37 = tpu.memref_slice %arg10[%add3A_16, %dma_start3A] : memref<10240x128xf32, #tpu.memory_space<vmem_shared>> -> memref<128x128xf32, #tpu.memory_space<vmem_shared>>
      %dma_start3A_38 = arith.constant 0 : i32
      %dma_start3A_39 = tpu.memref_slice %arg10[%add3A_16, %dma_start3A_38] : memref<10240x128xf32, #tpu.memory_space<vmem_shared>> -> memref<128x128xf32, #tpu.memory_space<vmem_shared>>
      tpu.enqueue_dma source(%arg9 : memref<128x128xf32, #tpu.memory_space<vmem>>) target(%dma_start3A_39 : memref<128x128xf32, #tpu.memory_space<vmem_shared>>) target_semaphore(%run_scoped3A : memref<!tpu.dma_semaphore, #tpu.memory_space<semaphore_mem>>)
      %dma_wait3A = arith.constant 0 : i32
      %dma_wait3A_40 = tpu.memref_slice %arg10[%add3A_16, %dma_wait3A] : memref<10240x128xf32, #tpu.memory_space<vmem_shared>> -> memref<128x128xf32, #tpu.memory_space<vmem_shared>>
      %dma_wait3A_41 = arith.constant 0 : i32
      %dma_wait3A_42 = tpu.memref_slice %arg10[%add3A_16, %dma_wait3A_41] : memref<10240x128xf32, #tpu.memory_space<vmem_shared>> -> memref<128x128xf32, #tpu.memory_space<vmem_shared>>
      tpu.wait_dma2 semaphore(%run_scoped3A : memref<!tpu.dma_semaphore, #tpu.memory_space<semaphore_mem>>) src(%arg9 : memref<128x128xf32, #tpu.memory_space<vmem>>) dst(%dma_wait3A_42 : memref<128x128xf32, #tpu.memory_space<vmem_shared>>)
      tpu.yield
    }) : () -> ()
    %mul3A_17 = arith.constant 640 : i32
    %mul3A_18 = arith.muli %arg1, %mul3A_17 : i32
    %add3A_19 = arith.constant 512 : i32
    %add3A_20 = arith.addi %mul3A_18, %add3A_19 : i32
    "tpu.region"() ({
      %run_scoped3A = tpu.sem_alloc : memref<!tpu.dma_semaphore, #tpu.memory_space<semaphore_mem>>
      %dma_start3A = arith.constant 0 : i32
      %dma_start3A_37 = tpu.memref_slice %arg10[%add3A_20, %dma_start3A] : memref<10240x128xf32, #tpu.memory_space<vmem_shared>> -> memref<128x128xf32, #tpu.memory_space<vmem_shared>>
      %dma_start3A_38 = arith.constant 0 : i32
      %dma_start3A_39 = tpu.memref_slice %arg10[%add3A_20, %dma_start3A_38] : memref<10240x128xf32, #tpu.memory_space<vmem_shared>> -> memref<128x128xf32, #tpu.memory_space<vmem_shared>>
      tpu.enqueue_dma source(%arg9 : memref<128x128xf32, #tpu.memory_space<vmem>>) target(%dma_start3A_39 : memref<128x128xf32, #tpu.memory_space<vmem_shared>>) target_semaphore(%run_scoped3A : memref<!tpu.dma_semaphore, #tpu.memory_space<semaphore_mem>>)
      %dma_wait3A = arith.constant 0 : i32
      %dma_wait3A_40 = tpu.memref_slice %arg10[%add3A_20, %dma_wait3A] : memref<10240x128xf32, #tpu.memory_space<vmem_shared>> -> memref<128x128xf32, #tpu.memory_space<vmem_shared>>
      %dma_wait3A_41 = arith.constant 0 : i32
      %dma_wait3A_42 = tpu.memref_slice %arg10[%add3A_20, %dma_wait3A_41] : memref<10240x128xf32, #tpu.memory_space<vmem_shared>> -> memref<128x128xf32, #tpu.memory_space<vmem_shared>>
      tpu.wait_dma2 semaphore(%run_scoped3A : memref<!tpu.dma_semaphore, #tpu.memory_space<semaphore_mem>>) src(%arg9 : memref<128x128xf32, #tpu.memory_space<vmem>>) dst(%dma_wait3A_42 : memref<128x128xf32, #tpu.memory_space<vmem_shared>>)
      tpu.yield
    }) : () -> ()
    %barrier3A = arith.constant 0 : index
    tpu.barrier barrier_id(%barrier3A)
    %mul3A_21 = arith.constant 10112 : i32
    %mul3A_22 = arith.muli %add3A, %mul3A_21 : i32
    %scan3A = arith.constant 0 : i32
    %scan3A_23 = arith.constant 0 : i32
    %scan3A_24 = arith.constant 79 : i32
    %scan3A_25 = arith.addi %scan3A_23, %scan3A_24 : i32
    %scan3A_26 = arith.constant 1 : i32
    %scan3A_27 = scf.for %scan3A_37 = %scan3A_23 to %scan3A_25 step %scan3A_26 iter_args(%scan3A_38 = %scan3A) -> (i32)  : i32 {
      %mul3A_39 = arith.constant 128 : i32
      %mul3A_40 = arith.muli %scan3A_37, %mul3A_39 : i32
      %add3A_41 = arith.addi %mul3A_22, %mul3A_40 : i32
      "tpu.region"() ({
        %run_scoped3A = tpu.sem_alloc : memref<!tpu.dma_semaphore, #tpu.memory_space<semaphore_mem>>
        %dma_start3A_47 = tpu.memref_slice %arg3[%add3A_41] : memref<323584xi32, #tpu.memory_space<hbm>> -> memref<128xi32, #tpu.memory_space<hbm>>
        %dma_start3A_48 = tpu.memref_slice %arg3[%add3A_41] : memref<323584xi32, #tpu.memory_space<hbm>> -> memref<128xi32, #tpu.memory_space<hbm>>
        tpu.enqueue_dma source(%dma_start3A_48 : memref<128xi32, #tpu.memory_space<hbm>>) target(%arg7 : memref<128xi32, #tpu.memory_space<vmem>>) target_semaphore(%run_scoped3A : memref<!tpu.dma_semaphore, #tpu.memory_space<semaphore_mem>>)
        %dma_wait3A_49 = tpu.memref_slice %arg3[%add3A_41] : memref<323584xi32, #tpu.memory_space<hbm>> -> memref<128xi32, #tpu.memory_space<hbm>>
        %dma_wait3A_50 = tpu.memref_slice %arg3[%add3A_41] : memref<323584xi32, #tpu.memory_space<hbm>> -> memref<128xi32, #tpu.memory_space<hbm>>
        tpu.wait_dma2 semaphore(%run_scoped3A : memref<!tpu.dma_semaphore, #tpu.memory_space<semaphore_mem>>) src(%dma_wait3A_50 : memref<128xi32, #tpu.memory_space<hbm>>) dst(%arg7 : memref<128xi32, #tpu.memory_space<vmem>>)
        tpu.yield
      }) : () -> ()
      "tpu.region"() ({
        %run_scoped3A = tpu.sem_alloc : memref<!tpu.dma_semaphore, #tpu.memory_space<semaphore_mem>>
        %dma_start3A_47 = tpu.memref_slice %arg4[%add3A_41] : memref<323584xi32, #tpu.memory_space<hbm>> -> memref<128xi32, #tpu.memory_space<hbm>>
        %dma_start3A_48 = tpu.memref_slice %arg4[%add3A_41] : memref<323584xi32, #tpu.memory_space<hbm>> -> memref<128xi32, #tpu.memory_space<hbm>>
        tpu.enqueue_dma source(%dma_start3A_48 : memref<128xi32, #tpu.memory_space<hbm>>) target(%arg8 : memref<128xi32, #tpu.memory_space<vmem>>) target_semaphore(%run_scoped3A : memref<!tpu.dma_semaphore, #tpu.memory_space<semaphore_mem>>)
        %dma_wait3A_49 = tpu.memref_slice %arg4[%add3A_41] : memref<323584xi32, #tpu.memory_space<hbm>> -> memref<128xi32, #tpu.memory_space<hbm>>
        %dma_wait3A_50 = tpu.memref_slice %arg4[%add3A_41] : memref<323584xi32, #tpu.memory_space<hbm>> -> memref<128xi32, #tpu.memory_space<hbm>>
        tpu.wait_dma2 semaphore(%run_scoped3A : memref<!tpu.dma_semaphore, #tpu.memory_space<semaphore_mem>>) src(%dma_wait3A_50 : memref<128xi32, #tpu.memory_space<hbm>>) dst(%arg8 : memref<128xi32, #tpu.memory_space<vmem>>)
        tpu.yield
      }) : () -> ()
      %dma_start3A = arith.constant 0 : i32
      %dma_start3A_42 = arith.constant 0 : i32
      %dma_start3A_43 = tpu.memref_slice %arg2[%dma_start3A, %dma_start3A_42] : memref<10240x128xf32, #tpu.memory_space<hbm>> -> memref<10240x128xf32, #tpu.memory_space<hbm>>
      tpu.enqueue_indirect_dma source(%dma_start3A_43 : memref<10240x128xf32, #tpu.memory_space<hbm>>) target(%arg9 : memref<128x128xf32, #tpu.memory_space<vmem>>) offsets(%arg7 : memref<128xi32, #tpu.memory_space<vmem>>) semaphore(%arg11 : memref<!tpu.dma_semaphore, #tpu.memory_space<semaphore_mem>>)
      %dma_wait3A = arith.constant 0 : i32
      %dma_wait3A_44 = arith.constant 0 : i32
      %dma_wait3A_45 = tpu.memref_slice %arg2[%dma_wait3A, %dma_wait3A_44] : memref<10240x128xf32, #tpu.memory_space<hbm>> -> memref<10240x128xf32, #tpu.memory_space<hbm>>
      tpu.wait_indirect_dma semaphore(%arg11 : memref<!tpu.dma_semaphore, #tpu.memory_space<semaphore_mem>>) src(%dma_wait3A_45 : memref<10240x128xf32, #tpu.memory_space<hbm>>) dst(%arg9 : memref<128x128xf32, #tpu.memory_space<vmem>>)
      "tpu.region"() ({
        %run_scoped3A = tpu.sem_alloc : memref<!tpu.dma_semaphore, #tpu.memory_space<semaphore_mem>>
        %dma_start3A_47 = arith.constant 0 : i32
        %dma_start3A_48 = arith.constant 0 : i32
        %dma_start3A_49 = tpu.memref_slice %arg10[%dma_start3A_47, %dma_start3A_48] : memref<10240x128xf32, #tpu.memory_space<vmem_shared>> -> memref<10240x128xf32, #tpu.memory_space<vmem_shared>>
        tpu.enqueue_indirect_dma source(%arg9 : memref<128x128xf32, #tpu.memory_space<vmem>>) target(%dma_start3A_49 : memref<10240x128xf32, #tpu.memory_space<vmem_shared>>) offsets(%arg8 : memref<128xi32, #tpu.memory_space<vmem>>) semaphore(%run_scoped3A : memref<!tpu.dma_semaphore, #tpu.memory_space<semaphore_mem>>) {add = true}
        %dma_wait3A_50 = arith.constant 0 : i32
        %dma_wait3A_51 = arith.constant 0 : i32
        %dma_wait3A_52 = tpu.memref_slice %arg10[%dma_wait3A_50, %dma_wait3A_51] : memref<10240x128xf32, #tpu.memory_space<vmem_shared>> -> memref<10240x128xf32, #tpu.memory_space<vmem_shared>>
        tpu.wait_indirect_dma semaphore(%run_scoped3A : memref<!tpu.dma_semaphore, #tpu.memory_space<semaphore_mem>>) src(%arg9 : memref<128x128xf32, #tpu.memory_space<vmem>>) dst(%dma_wait3A_52 : memref<10240x128xf32, #tpu.memory_space<vmem_shared>>)
        tpu.yield
      }) : () -> ()
      %scan3A_46 = arith.constant 0 : i32
      scf.yield %scan3A_46 : i32
    }
    %scan3A_28 = arith.constant 79 : i32
    %barrier3A_29 = arith.constant 0 : index
    tpu.barrier barrier_id(%barrier3A_29)
    %scan3A_30 = arith.constant 0 : i32
    %scan3A_31 = arith.constant 0 : i32
    %scan3A_32 = arith.constant 5 : i32
    %scan3A_33 = arith.addi %scan3A_31, %scan3A_32 : i32
    %scan3A_34 = arith.constant 1 : i32
    %scan3A_35 = scf.for %scan3A_37 = %scan3A_31 to %scan3A_33 step %scan3A_34 iter_args(%scan3A_38 = %scan3A_30) -> (i32)  : i32 {
      %mul3A_39 = arith.constant 640 : i32
      %mul3A_40 = arith.muli %arg1, %mul3A_39 : i32
      %mul3A_41 = arith.constant 128 : i32
      %mul3A_42 = arith.muli %scan3A_37, %mul3A_41 : i32
      %add3A_43 = arith.addi %mul3A_40, %mul3A_42 : i32
      "tpu.region"() ({
        %run_scoped3A = tpu.sem_alloc : memref<!tpu.dma_semaphore, #tpu.memory_space<semaphore_mem>>
        %dma_start3A = arith.constant 0 : i32
        %dma_start3A_45 = tpu.memref_slice %arg10[%add3A_43, %dma_start3A] : memref<10240x128xf32, #tpu.memory_space<vmem_shared>> -> memref<128x128xf32, #tpu.memory_space<vmem_shared>>
        %dma_start3A_46 = arith.constant 0 : i32
        %dma_start3A_47 = tpu.memref_slice %arg10[%add3A_43, %dma_start3A_46] : memref<10240x128xf32, #tpu.memory_space<vmem_shared>> -> memref<128x128xf32, #tpu.memory_space<vmem_shared>>
        tpu.enqueue_dma source(%dma_start3A_47 : memref<128x128xf32, #tpu.memory_space<vmem_shared>>) target(%arg9 : memref<128x128xf32, #tpu.memory_space<vmem>>) target_semaphore(%run_scoped3A : memref<!tpu.dma_semaphore, #tpu.memory_space<semaphore_mem>>)
        %dma_wait3A = arith.constant 0 : i32
        %dma_wait3A_48 = tpu.memref_slice %arg10[%add3A_43, %dma_wait3A] : memref<10240x128xf32, #tpu.memory_space<vmem_shared>> -> memref<128x128xf32, #tpu.memory_space<vmem_shared>>
        %dma_wait3A_49 = arith.constant 0 : i32
        %dma_wait3A_50 = tpu.memref_slice %arg10[%add3A_43, %dma_wait3A_49] : memref<10240x128xf32, #tpu.memory_space<vmem_shared>> -> memref<128x128xf32, #tpu.memory_space<vmem_shared>>
        tpu.wait_dma2 semaphore(%run_scoped3A : memref<!tpu.dma_semaphore, #tpu.memory_space<semaphore_mem>>) src(%dma_wait3A_50 : memref<128x128xf32, #tpu.memory_space<vmem_shared>>) dst(%arg9 : memref<128x128xf32, #tpu.memory_space<vmem>>)
        tpu.yield
      }) : () -> ()
      "tpu.region"() ({
        %run_scoped3A = tpu.sem_alloc : memref<!tpu.dma_semaphore, #tpu.memory_space<semaphore_mem>>
        %dma_start3A = arith.constant 0 : i32
        %dma_start3A_45 = tpu.memref_slice %arg6[%arg0, %add3A_43, %dma_start3A] : memref<2x10240x128xf32, #tpu.memory_space<hbm>> -> memref<1x128x128xf32, #tpu.memory_space<hbm>>
        %dma_start3A_46 = tpu.memref_squeeze %dma_start3A_45 : memref<1x128x128xf32, #tpu.memory_space<hbm>> -> memref<128x128xf32, #tpu.memory_space<hbm>>
        %dma_start3A_47 = arith.constant 0 : i32
        %dma_start3A_48 = tpu.memref_slice %arg6[%arg0, %add3A_43, %dma_start3A_47] : memref<2x10240x128xf32, #tpu.memory_space<hbm>> -> memref<1x128x128xf32, #tpu.memory_space<hbm>>
        %dma_start3A_49 = tpu.memref_squeeze %dma_start3A_48 : memref<1x128x128xf32, #tpu.memory_space<hbm>> -> memref<128x128xf32, #tpu.memory_space<hbm>>
        tpu.enqueue_dma source(%arg9 : memref<128x128xf32, #tpu.memory_space<vmem>>) target(%dma_start3A_49 : memref<128x128xf32, #tpu.memory_space<hbm>>) target_semaphore(%run_scoped3A : memref<!tpu.dma_semaphore, #tpu.memory_space<semaphore_mem>>)
        %dma_wait3A = arith.constant 0 : i32
        %dma_wait3A_50 = tpu.memref_slice %arg6[%arg0, %add3A_43, %dma_wait3A] : memref<2x10240x128xf32, #tpu.memory_space<hbm>> -> memref<1x128x128xf32, #tpu.memory_space<hbm>>
        %dma_wait3A_51 = tpu.memref_squeeze %dma_wait3A_50 : memref<1x128x128xf32, #tpu.memory_space<hbm>> -> memref<128x128xf32, #tpu.memory_space<hbm>>
        %dma_wait3A_52 = arith.constant 0 : i32
        %dma_wait3A_53 = tpu.memref_slice %arg6[%arg0, %add3A_43, %dma_wait3A_52] : memref<2x10240x128xf32, #tpu.memory_space<hbm>> -> memref<1x128x128xf32, #tpu.memory_space<hbm>>
        %dma_wait3A_54 = tpu.memref_squeeze %dma_wait3A_53 : memref<1x128x128xf32, #tpu.memory_space<hbm>> -> memref<128x128xf32, #tpu.memory_space<hbm>>
        tpu.wait_dma2 semaphore(%run_scoped3A : memref<!tpu.dma_semaphore, #tpu.memory_space<semaphore_mem>>) src(%arg9 : memref<128x128xf32, #tpu.memory_space<vmem>>) dst(%dma_wait3A_54 : memref<128x128xf32, #tpu.memory_space<hbm>>)
        tpu.yield
      }) : () -> ()
      %scan3A_44 = arith.constant 0 : i32
      scf.yield %scan3A_44 : i32
    }
    %scan3A_36 = arith.constant 5 : i32
    return
  }
}

module attributes {stable_mosaic.version = 14 : i64} {
  func.func @_t1_body(%arg0: i32, %arg1: memref<2x1024x1xf32, #tpu.memory_space<vmem>>, %arg2: memref<1024x128xf32, #tpu.memory_space<vmem>>, %arg3: memref<128x128xf32, #tpu.memory_space<vmem>>, %arg4: memref<1024x128xf32, #tpu.memory_space<vmem>>, %arg5: memref<1024x128xf32, #tpu.memory_space<vmem>>, %arg6: memref<1024x1xf32, #tpu.memory_space<vmem>>) attributes {dimension_semantics = [#tpu.dimension_semantics<arbitrary>], iteration_bounds = array<i64: 10>, scalar_prefetch = 0 : i64, scratch_operands = 0 : i64, tpu.core_type = #tpu.core_type<tc>, window_params = [{transform_indices = @transform_0, window_bounds = array<i64: 2, 1024, 1>}, {transform_indices = @transform_1, window_bounds = array<i64: 1024, 128>}, {pipeline_mode = #tpu.pipeline_mode<synchronous>, transform_indices = @transform_2, window_bounds = array<i64: 128, 128>}, {transform_indices = @transform_3, window_bounds = array<i64: 1024, 128>}, {transform_indices = @transform_4, window_bounds = array<i64: 1024, 128>}, {transform_indices = @transform_5, window_bounds = array<i64: 1024, 1>}]} {
    %get3A = arith.constant 0 : index
    %get3A_0 = arith.constant 0 : index
    %get3A_1 = arith.constant 0 : index
    %get3A_2 = vector.load %arg1[%get3A, %get3A_0, %get3A_1] : memref<2x1024x1xf32, #tpu.memory_space<vmem>>, vector<1x1024x1xf32>
    %get3A_3 = vector.shape_cast %get3A_2 : vector<1x1024x1xf32> to vector<1024x1xf32>
    %get3A_4 = arith.constant 1 : index
    %get3A_5 = arith.constant 0 : index
    %get3A_6 = arith.constant 0 : index
    %get3A_7 = vector.load %arg1[%get3A_4, %get3A_5, %get3A_6] : memref<2x1024x1xf32, #tpu.memory_space<vmem>>, vector<1x1024x1xf32>
    %get3A_8 = vector.shape_cast %get3A_7 : vector<1x1024x1xf32> to vector<1024x1xf32>
    %add3A = arith.addf %get3A_3, %get3A_8 : vector<1024x1xf32>
    %max3A = arith.constant 1.000000e+00 : f32
    %max3A_9 = vector.broadcast %max3A : f32 to vector<1024x1xf32>
    %max3A_10 = arith.maximumf %add3A, %max3A_9 : vector<1024x1xf32>
    %rsqrt3A = math.rsqrt %max3A_10 : vector<1024x1xf32>
    %get3A_11 = arith.constant 0 : index
    %get3A_12 = arith.constant 0 : index
    %get3A_13 = vector.load %arg2[%get3A_11, %get3A_12] : memref<1024x128xf32, #tpu.memory_space<vmem>>, vector<1024x128xf32>
    %mul3A = vector.broadcast %rsqrt3A : vector<1024x1xf32> to vector<1024x128xf32>
    %mul3A_14 = arith.mulf %get3A_13, %mul3A : vector<1024x128xf32>
    %swap3A = arith.constant 0 : index
    %swap3A_15 = arith.constant 0 : index
    %swap3A_16 = vector.load %arg4[%swap3A, %swap3A_15] : memref<1024x128xf32, #tpu.memory_space<vmem>>, vector<1024x128xf32>
    tpu.vector_store %arg4[%swap3A, %swap3A_15], %mul3A_14 {strides = array<i32>} : memref<1024x128xf32, #tpu.memory_space<vmem>>, vector<1024x128xf32>,
    %swap3A_17 = arith.constant 0 : index
    %swap3A_18 = arith.constant 0 : index
    %swap3A_19 = vector.load %arg6[%swap3A_17, %swap3A_18] : memref<1024x1xf32, #tpu.memory_space<vmem>>, vector<1024x1xf32>
    tpu.vector_store %arg6[%swap3A_17, %swap3A_18], %rsqrt3A {strides = array<i32>} : memref<1024x1xf32, #tpu.memory_space<vmem>>, vector<1024x1xf32>,
    %get3A_20 = arith.constant 0 : index
    %get3A_21 = arith.constant 0 : index
    %get3A_22 = vector.load %arg3[%get3A_20, %get3A_21] : memref<128x128xf32, #tpu.memory_space<vmem>>, vector<128x128xf32>
    %dot_general3A = arith.constant dense<0.000000e+00> : vector<1024x128xf32>
    %dot_general3A_23 = tpu.matmul %get3A_13, %get3A_22, %dot_general3A {dimension_numbers = #tpu.dot_dimension_numbers<[1], [1], [0], [0], [0, 0, 1, 0], [], []>, transpose_lhs_hint = false} : vector<1024x128xf32>, vector<128x128xf32>, vector<1024x128xf32> -> vector<1024x128xf32>
    %swap3A_24 = arith.constant 0 : index
    %swap3A_25 = arith.constant 0 : index
    %swap3A_26 = vector.load %arg5[%swap3A_24, %swap3A_25] : memref<1024x128xf32, #tpu.memory_space<vmem>>, vector<1024x128xf32>
    tpu.vector_store %arg5[%swap3A_24, %swap3A_25], %dot_general3A_23 {strides = array<i32>} : memref<1024x128xf32, #tpu.memory_space<vmem>>, vector<1024x128xf32>,
    return
  }
  func.func @transform_0(%arg0: i32) -> (i32, i32, i32) {
    %c0_i32 = arith.constant 0 : i32
    %c0_i32_0 = arith.constant 0 : i32
    %c0_i32_1 = arith.constant 0 : i32
    return %c0_i32, %arg0, %c0_i32_0 : i32, i32, i32
  }
  func.func @transform_1(%arg0: i32) -> (i32, i32) {
    %c0_i32 = arith.constant 0 : i32
    %c0_i32_0 = arith.constant 0 : i32
    return %arg0, %c0_i32 : i32, i32
  }
  func.func @transform_2(%arg0: i32) -> (i32, i32) {
    %c0_i32 = arith.constant 0 : i32
    %c0_i32_0 = arith.constant 0 : i32
    %c0_i32_1 = arith.constant 0 : i32
    return %c0_i32, %c0_i32_0 : i32, i32
  }
  func.func @transform_3(%arg0: i32) -> (i32, i32) {
    %c0_i32 = arith.constant 0 : i32
    %c0_i32_0 = arith.constant 0 : i32
    return %arg0, %c0_i32 : i32, i32
  }
  func.func @transform_4(%arg0: i32) -> (i32, i32) {
    %c0_i32 = arith.constant 0 : i32
    %c0_i32_0 = arith.constant 0 : i32
    return %arg0, %c0_i32 : i32, i32
  }
  func.func @transform_5(%arg0: i32) -> (i32, i32) {
    %c0_i32 = arith.constant 0 : i32
    %c0_i32_0 = arith.constant 0 : i32
    return %arg0, %c0_i32 : i32, i32
  }
}

module attributes {stable_mosaic.version = 14 : i64} {
  func.func @_t2_body(%arg0: i32, %arg1: memref<2x1024x128xf32, #tpu.memory_space<vmem>>, %arg2: memref<1024x1xf32, #tpu.memory_space<vmem>>, %arg3: memref<128x128xf32, #tpu.memory_space<vmem>>, %arg4: memref<1024x128xf32, #tpu.memory_space<vmem>>, %arg5: memref<1024x128xf32, #tpu.memory_space<vmem>>) attributes {dimension_semantics = [#tpu.dimension_semantics<arbitrary>], iteration_bounds = array<i64: 10>, scalar_prefetch = 0 : i64, scratch_operands = 0 : i64, tpu.core_type = #tpu.core_type<tc>, window_params = [{transform_indices = @transform_0, window_bounds = array<i64: 2, 1024, 128>}, {transform_indices = @transform_1, window_bounds = array<i64: 1024, 1>}, {pipeline_mode = #tpu.pipeline_mode<synchronous>, transform_indices = @transform_2, window_bounds = array<i64: 128, 128>}, {transform_indices = @transform_3, window_bounds = array<i64: 1024, 128>}, {transform_indices = @transform_4, window_bounds = array<i64: 1024, 128>}]} {
    %get3A = arith.constant 0 : index
    %get3A_0 = arith.constant 0 : index
    %get3A_1 = vector.load %arg2[%get3A, %get3A_0] : memref<1024x1xf32, #tpu.memory_space<vmem>>, vector<1024x1xf32>
    %get3A_2 = arith.constant 0 : index
    %get3A_3 = arith.constant 0 : index
    %get3A_4 = arith.constant 0 : index
    %get3A_5 = vector.load %arg1[%get3A_2, %get3A_3, %get3A_4] : memref<2x1024x128xf32, #tpu.memory_space<vmem>>, vector<1x1024x128xf32>
    %get3A_6 = vector.shape_cast %get3A_5 : vector<1x1024x128xf32> to vector<1024x128xf32>
    %get3A_7 = arith.constant 1 : index
    %get3A_8 = arith.constant 0 : index
    %get3A_9 = arith.constant 0 : index
    %get3A_10 = vector.load %arg1[%get3A_7, %get3A_8, %get3A_9] : memref<2x1024x128xf32, #tpu.memory_space<vmem>>, vector<1x1024x128xf32>
    %get3A_11 = vector.shape_cast %get3A_10 : vector<1x1024x128xf32> to vector<1024x128xf32>
    %add3A = arith.addf %get3A_6, %get3A_11 : vector<1024x128xf32>
    %mul3A = vector.broadcast %get3A_1 : vector<1024x1xf32> to vector<1024x128xf32>
    %mul3A_12 = arith.mulf %add3A, %mul3A : vector<1024x128xf32>
    %get3A_13 = arith.constant 0 : index
    %get3A_14 = arith.constant 0 : index
    %get3A_15 = vector.load %arg3[%get3A_13, %get3A_14] : memref<128x128xf32, #tpu.memory_space<vmem>>, vector<128x128xf32>
    %dot_general3A = arith.constant dense<0.000000e+00> : vector<1024x128xf32>
    %dot_general3A_16 = tpu.matmul %mul3A_12, %get3A_15, %dot_general3A {dimension_numbers = #tpu.dot_dimension_numbers<[1], [1], [0], [0], [0, 0, 1, 0], [], []>, transpose_lhs_hint = false} : vector<1024x128xf32>, vector<128x128xf32>, vector<1024x128xf32> -> vector<1024x128xf32>
    %swap3A = arith.constant 0 : index
    %swap3A_17 = arith.constant 0 : index
    %swap3A_18 = vector.load %arg4[%swap3A, %swap3A_17] : memref<1024x128xf32, #tpu.memory_space<vmem>>, vector<1024x128xf32>
    tpu.vector_store %arg4[%swap3A, %swap3A_17], %dot_general3A_16 {strides = array<i32>} : memref<1024x128xf32, #tpu.memory_space<vmem>>, vector<1024x128xf32>,
    %mul3A_19 = vector.broadcast %get3A_1 : vector<1024x1xf32> to vector<1024x128xf32>
    %mul3A_20 = arith.mulf %mul3A_12, %mul3A_19 : vector<1024x128xf32>
    %swap3A_21 = arith.constant 0 : index
    %swap3A_22 = arith.constant 0 : index
    %swap3A_23 = vector.load %arg5[%swap3A_21, %swap3A_22] : memref<1024x128xf32, #tpu.memory_space<vmem>>, vector<1024x128xf32>
    tpu.vector_store %arg5[%swap3A_21, %swap3A_22], %mul3A_20 {strides = array<i32>} : memref<1024x128xf32, #tpu.memory_space<vmem>>, vector<1024x128xf32>,
    return
  }
  func.func @transform_0(%arg0: i32) -> (i32, i32, i32) {
    %c0_i32 = arith.constant 0 : i32
    %c0_i32_0 = arith.constant 0 : i32
    %c0_i32_1 = arith.constant 0 : i32
    return %c0_i32, %arg0, %c0_i32_0 : i32, i32, i32
  }
  func.func @transform_1(%arg0: i32) -> (i32, i32) {
    %c0_i32 = arith.constant 0 : i32
    %c0_i32_0 = arith.constant 0 : i32
    return %arg0, %c0_i32 : i32, i32
  }
  func.func @transform_2(%arg0: i32) -> (i32, i32) {
    %c0_i32 = arith.constant 0 : i32
    %c0_i32_0 = arith.constant 0 : i32
    %c0_i32_1 = arith.constant 0 : i32
    return %c0_i32, %c0_i32_0 : i32, i32
  }
  func.func @transform_3(%arg0: i32) -> (i32, i32) {
    %c0_i32 = arith.constant 0 : i32
    %c0_i32_0 = arith.constant 0 : i32
    return %arg0, %c0_i32 : i32, i32
  }
  func.func @transform_4(%arg0: i32) -> (i32, i32) {
    %c0_i32 = arith.constant 0 : i32
    %c0_i32_0 = arith.constant 0 : i32
    return %arg0, %c0_i32 : i32, i32
  }
}

module attributes {stable_mosaic.version = 14 : i64} {
  func.func @_t3_body(%arg0: i32, %arg1: memref<2x1024x128xf32, #tpu.memory_space<vmem>>, %arg2: memref<1024x1xf32, #tpu.memory_space<vmem>>, %arg3: memref<128x128xf32, #tpu.memory_space<vmem>>, %arg4: memref<1024x128xf32, #tpu.memory_space<vmem>>) attributes {dimension_semantics = [#tpu.dimension_semantics<arbitrary>], iteration_bounds = array<i64: 10>, scalar_prefetch = 0 : i64, scratch_operands = 0 : i64, tpu.core_type = #tpu.core_type<tc>, window_params = [{transform_indices = @transform_0, window_bounds = array<i64: 2, 1024, 128>}, {transform_indices = @transform_1, window_bounds = array<i64: 1024, 1>}, {pipeline_mode = #tpu.pipeline_mode<synchronous>, transform_indices = @transform_2, window_bounds = array<i64: 128, 128>}, {transform_indices = @transform_3, window_bounds = array<i64: 1024, 128>}]} {
    %get3A = arith.constant 0 : index
    %get3A_0 = arith.constant 0 : index
    %get3A_1 = arith.constant 0 : index
    %get3A_2 = vector.load %arg1[%get3A, %get3A_0, %get3A_1] : memref<2x1024x128xf32, #tpu.memory_space<vmem>>, vector<1x1024x128xf32>
    %get3A_3 = vector.shape_cast %get3A_2 : vector<1x1024x128xf32> to vector<1024x128xf32>
    %get3A_4 = arith.constant 1 : index
    %get3A_5 = arith.constant 0 : index
    %get3A_6 = arith.constant 0 : index
    %get3A_7 = vector.load %arg1[%get3A_4, %get3A_5, %get3A_6] : memref<2x1024x128xf32, #tpu.memory_space<vmem>>, vector<1x1024x128xf32>
    %get3A_8 = vector.shape_cast %get3A_7 : vector<1x1024x128xf32> to vector<1024x128xf32>
    %add3A = arith.addf %get3A_3, %get3A_8 : vector<1024x128xf32>
    %get3A_9 = arith.constant 0 : index
    %get3A_10 = arith.constant 0 : index
    %get3A_11 = vector.load %arg2[%get3A_9, %get3A_10] : memref<1024x1xf32, #tpu.memory_space<vmem>>, vector<1024x1xf32>
    %mul3A = vector.broadcast %get3A_11 : vector<1024x1xf32> to vector<1024x128xf32>
    %mul3A_12 = arith.mulf %add3A, %mul3A : vector<1024x128xf32>
    %get3A_13 = arith.constant 0 : index
    %get3A_14 = arith.constant 0 : index
    %get3A_15 = vector.load %arg3[%get3A_13, %get3A_14] : memref<128x128xf32, #tpu.memory_space<vmem>>, vector<128x128xf32>
    %dot_general3A = arith.constant dense<0.000000e+00> : vector<1024x128xf32>
    %dot_general3A_16 = tpu.matmul %mul3A_12, %get3A_15, %dot_general3A {dimension_numbers = #tpu.dot_dimension_numbers<[1], [1], [0], [0], [0, 0, 1, 0], [], []>, transpose_lhs_hint = false} : vector<1024x128xf32>, vector<128x128xf32>, vector<1024x128xf32> -> vector<1024x128xf32>
    %swap3A = arith.constant 0 : index
    %swap3A_17 = arith.constant 0 : index
    %swap3A_18 = vector.load %arg4[%swap3A, %swap3A_17] : memref<1024x128xf32, #tpu.memory_space<vmem>>, vector<1024x128xf32>
    tpu.vector_store %arg4[%swap3A, %swap3A_17], %dot_general3A_16 {strides = array<i32>} : memref<1024x128xf32, #tpu.memory_space<vmem>>, vector<1024x128xf32>,
    return
  }
  func.func @transform_0(%arg0: i32) -> (i32, i32, i32) {
    %c0_i32 = arith.constant 0 : i32
    %c0_i32_0 = arith.constant 0 : i32
    %c0_i32_1 = arith.constant 0 : i32
    return %c0_i32, %arg0, %c0_i32_0 : i32, i32, i32
  }
  func.func @transform_1(%arg0: i32) -> (i32, i32) {
    %c0_i32 = arith.constant 0 : i32
    %c0_i32_0 = arith.constant 0 : i32
    return %arg0, %c0_i32 : i32, i32
  }
  func.func @transform_2(%arg0: i32) -> (i32, i32) {
    %c0_i32 = arith.constant 0 : i32
    %c0_i32_0 = arith.constant 0 : i32
    %c0_i32_1 = arith.constant 0 : i32
    return %c0_i32, %c0_i32_0 : i32, i32
  }
  func.func @transform_3(%arg0: i32) -> (i32, i32) {
    %c0_i32 = arith.constant 0 : i32
    %c0_i32_0 = arith.constant 0 : i32
    return %arg0, %c0_i32 : i32, i32
  }
}

</mosaic_0001>

<sc_bundles>
// kernel: kernel.11.cloned.1.call-start
scs
__scs_entry_jumppad:
0x0: {  	(pc) =	sbr.rel $0x88, $3  }
0x1: {  	(tag) =	ssettag $0x0;
	lr =	simm.s32 $0x1  }
0x2: {  	[smem:$0x3F9C] =	sst lr;
	_ =	strace $0xD0000000  }
0x3: {  	_ = 	snop  }
0x4: {  	_ = 	snop  }
0x5: {  	_ = 	snop  }
0x6: {  	_ = 	snop  }
0x7: {  	_ = 	snop  }
__scs_overlays_trampoline_lowered:
0x8: {  	[smem:$0x3FAB] =	sst s0  }
0x9: {  	[smem:$0x3FAC] =	sst s1  }
0xa: {  	[smem:$0x3FAD] =	sst s2  }
0xb: {  	[smem:$0x3FAE] =	sst s3  }
0xc: {  	[smem:$0x3FAF] =	sst s4  }
0xd: {  	[smem:$0x3FB0] =	sst s5  }
0xe: {  	[smem:$0x3FB1] =	sst s6  }
0xf: {  	[smem:$0x3FB2] =	sst s7  }
0x10: {  	[smem:$0x3FB3] =	sst s8  }
0x11: {  	[smem:$0x3FB4] =	sst s9;
	s0 =	simm.s32 @!p0 $0x0  }
0x12: {  	s1 =	sld [smem:$0x3F9A];
	s0 =	simm.s32 @p0 $0x1  }
0x13: {  	[smem:$0x3FB5] =	sst s0;
	s0 =	simm.s32 @!p1 $0x0  }
0x14: {  	s2 =	sld [smem:$0x3F99];
	s0 =	simm.s32 @p1 $0x1  }
0x15: {  	[smem:$0x3FB6] =	sst s0;
	s0 =	simm.s32 @!p2 $0x0  }
0x16: {  	s3 =	sld [smem:$0x3FDB];
	s0 =	simm.s32 @p2 $0x1  }
0x17: {  	s4 =	simm.s32 $0x1BF5;
	[smem:$0x3FB8] =	sst s0  }
0x18: {  	s0 =	sld [smem:$0x3F9B];
	_ =	swait.ge [sflag:s4], $0x0  }
0x19: {  	s7 =	sld [smem:$0x3F9C]  }
0x1a: {  	s8 =	sadd.s32 $0xFFFFE003, lr  }
0x1b: {  	s9 =	sadd.s32 $0xFFFFFEF7, lr;
	s5 =	simm.s32 $0xFFFFFFFF;
	p2 =	slt.u32 s8, $0xFFFFF086  }
0x1c: {  	p1 =	slt.u32 s9, $0xF7A;
	s5 =	simm.s32 @!p2 $0x0  }
0x1d: {  	s5 =	simm.s32 @p1 $0x1;
	p0 =	seq.s32 s7, s2  }
0x1e: {  	s7 =	smul.u32 @!p0 $0xF7A, s2;
	p2 =	seq.s32 @!p0 s5, $0x0  }
0x1f: {  	s9 =	smul.u32 $0xF7A, s1;
	s8 =	simm.s32 @!p0 $0x1BF5;
	p2 =	por !p2, p0  }
0x20: {  	[sflag:s8] =	ssyncset.s32 @!p0 $0xFFFFF086;
	s6 =	sadd.s32 @!p0 s3, s7;
	s7 =	simm.s32 @!p0 $0x108  }
0x21: {  	s3 =	sadd.s32 s3, s9;
	s6 =	sadd.s32 @!p0 $0x88, s6;
	s7 =	simm.s32 @p2 $0x1082  }
0x22: {  	[simem:s7], [sflag:s8] =	dma.local @!p0 [hbm:s6], $0xF7A  }
0x23: {  	s9 =	sor.u32 $0xD0000000, s2;
	s6 =	simm.s32 $0x108;
	_ =	swait.ge @!p0 [sflag:s8], $0x0  }
0x24: {  	s3 =	sadd.s32 $0x88, s3;
	s6 =	simm.s32 @!p1 $0x1082;
	[sflag:s4] =	ssyncset.s32 $0xFFFFF086  }
0x25: {  	[simem:s6], [sflag:s4] =	dma.local [hbm:s3], $0xF7A  }
0x26: {  	[smem:$0x3F9C] =	sst s1;
	(tag) =	ssettag s2;
	_ =	strace s9  }
0x27: {  	s1 =	sld [smem:$0x3FAC]  }
0x28: {  	s2 =	sld [smem:$0x3FAD]  }
0x29: {  	s4 =	sld [smem:$0x3FAF]  }
0x2a: {  	p0 =	seq.s32 s5, $0x0;
	s5 =	sld [smem:$0x3FB0]  }
0x2b: {  	s6 =	sld [smem:$0x3FB1]  }
0x2c: {  	s7 =	sld [smem:$0x3FB2]  }
0x2d: {  	s3 =	simm.s32 $0x108;
	s8 =	sld [smem:$0x3FB3]  }
0x2e: {  	s3 =	simm.s32 @!p0 $0x1082;
	s9 =	sld [smem:$0x3FB4]  }
0x2f: {  	lr =	sadd.s32 s0, s3;
	s0 =	sld [smem:$0x3FAB]  }
0x30: {  	s3 =	sld [smem:$0x3FAE]  }
0x31: {  	[smem:$0x3FB7] =	sst s10  }
0x32: {  	s10 =	sld [smem:$0x3FB5];
	_ =	sdelay $0x3  }
0x33: {  	p0 =	seq.s32 s10, $0x1;
	s10 =	sld [smem:$0x3FB7];
	_ =	sdelay $0x3  }
0x34: {  	[smem:$0x3FB7] =	sst s10  }
0x35: {  	s10 =	sld [smem:$0x3FB6];
	_ =	sdelay $0x3  }
0x36: {  	p1 =	seq.s32 s10, $0x1;
	s10 =	sld [smem:$0x3FB7];
	_ =	sdelay $0x3  }
0x37: {  	[smem:$0x3FB7] =	sst s10  }
0x38: {  	s10 =	sld [smem:$0x3FB8]  }
0x39: {  	_ = 	snop;
	(pc) =	sbr.ind lr, $3  }
0x3a: {  	_ = 	snop  }
0x3b: {  	_ = 	snop  }
0x3c: {  	p2 =	seq.s32 s10, $0x1;
	s10 =	sld [smem:$0x3FB7]  }
0x3d: {  	_ =	shalt  }
0x3e: {  	_ =	shalt  }
0x3f: {  	_ =	shalt  }
0x40: {  	_ =	shalt  }
0x41: {  	_ =	shalt  }
0x42: {  	_ =	shalt  }
0x43: {  	_ =	shalt  }
0x44: {  	_ =	shalt  }
0x45: {  	_ =	shalt  }
0x46: {  	_ =	shalt  }
0x47: {  	_ =	shalt  }
0x48: {  	_ =	shalt  }
0x49: {  	_ =	shalt  }
0x4a: {  	_ =	shalt  }
0x4b: {  	_ =	shalt  }
0x4c: {  	_ =	shalt  }
0x4d: {  	_ =	shalt  }
0x4e: {  	_ =	shalt  }
0x4f: {  	_ =	shalt  }
0x50: {  	_ =	shalt  }
0x51: {  	_ =	shalt  }
0x52: {  	_ =	shalt  }
0x53: {  	_ =	shalt  }
0x54: {  	_ =	shalt  }
0x55: {  	_ =	shalt  }
0x56: {  	_ =	shalt  }
0x57: {  	_ =	shalt  }
0x58: {  	_ =	shalt  }
0x59: {  	_ =	shalt  }
0x5a: {  	_ =	shalt  }
0x5b: {  	_ =	shalt  }
0x5c: {  	_ =	shalt  }
0x5d: {  	_ =	shalt  }
0x5e: {  	_ =	shalt  }
0x5f: {  	_ =	shalt  }
0x60: {  	_ =	shalt  }
0x61: {  	_ =	shalt  }
0x62: {  	_ =	shalt  }
0x63: {  	_ =	shalt  }
0x64: {  	_ =	shalt  }
0x65: {  	_ =	shalt  }
0x66: {  	_ =	shalt  }
0x67: {  	_ =	shalt  }
0x68: {  	_ =	shalt  }
0x69: {  	_ =	shalt  }
0x6a: {  	_ =	shalt  }
0x6b: {  	_ =	shalt  }
0x6c: {  	_ =	shalt  }
0x6d: {  	_ =	shalt  }
0x6e: {  	_ =	shalt  }
0x6f: {  	_ =	shalt  }
0x70: {  	_ =	shalt  }
0x71: {  	_ =	shalt  }
0x72: {  	_ =	shalt  }
0x73: {  	_ =	shalt  }
0x74: {  	_ =	shalt  }
0x75: {  	_ =	shalt  }
0x76: {  	_ =	shalt  }
0x77: {  	_ =	shalt  }
0x78: {  	_ =	shalt  }
0x79: {  	_ =	shalt  }
0x7a: {  	_ =	shalt  }
0x7b: {  	_ =	shalt  }
0x7c: {  	_ =	shalt  }
0x7d: {  	_ =	shalt  }
0x7e: {  	_ =	shalt  }
0x7f: {  	_ =	shalt  }
0x80: {  	_ =	shalt  }
0x81: {  	_ =	shalt  }
0x82: {  	_ =	shalt  }
0x83: {  	_ =	shalt  }
0x84: {  	_ =	shalt  }
0x85: {  	_ =	shalt  }
0x86: {  	_ =	shalt  }
0x87: {  	_ =	shalt  }
.Lfunc_end0:
.L_simem_size_0:
called_computation.1_lowered:
.L_overlay_start_0:
0x88: {  	s2 =	sld [smem:$0x3FD9]  }
0x89: {  	s3 =	sld [smem:$0x3FFE];
	_ =	sdelay $0x1  }
0x8a: {  	s1 =	srdreg.scid  }
0x8b: {  	s0 =	sand.u32 $0x1, s1  }
0x8c: {  	s17 =	sshll.u32 s0, $0xA;
	s2 =	sadd.s32 s3, s2  }
0x8d: {  	s2 =	sadd.s32 s2, s17  }
0x8e: {  	[smem:$0x3FC3] =	sst s2  }
0x8f: {  	_ = 	snop  }
0x90: {  	s2 =	sld [smem:$0x3FD0];
	(tm) =	ssettm $0x1  }
0x91: {  	s18 =	sld [smem:$0x3FFB];
	_ =	sdelay $0x3  }
0x92: {  	_ =	strace s18  }
0x93: {  	s3 =	sld [smem:$0x3FFC];
	_ =	sdelay $0x3  }
0x94: {  	_ =	strace s3  }
0x95: {  	s3 =	sld [smem:$0x3FFD];
	_ =	sdelay $0x3  }
0x96: {  	_ =	strace s3  }
0x97: {  	_ =	strace $0x8FFFFFFF  }
0x98: {  	s19 =	sld [smem:$0x3FDB];
	_ =	sdelay $0x1  }
0x99: {  	s4 =	simm.s32 $_scs_section_size  }
0x9a: {  	s5 =	simm.s32 $_size__tile_overlayer_lowered;
	s6 =	simm.s32 $_tile_overlayer_lowered  }
0x9b: {  	s22 =	simm.s32 $0x1BFF;
	s21 =	sshll.u32 s6, $0x1;
	s3 =	sadd.s32 s4, s19  }
0x9c: {  	s7 =	simm.s32 $0x0;
	s20 =	sshll.u32 s5, $0x1;
	s5 =	sadd.s32 s21, s3  }
0x9d: {  	[timem:s7], [sflag:s22] =	dma.local [hbm:s5], s20  }
0x9e: {  	_ =	swait.ge [sflag:s22], s20  }
0x9f: {  	s4 =	ssub.s32 $0x0, s20;
	[sflag:s22] =	ssyncset.done $0x0  }
0xa0: {  	[sflag:s22] =	ssyncadd.s32 s4;
	_ =	sdelay $0x1  }
0xa1: {  	s23 =	simm.s32 $0x1B8B  }
0xa2: {  	_ =	swait.ge [sflag:s23], $0x1  }
0xa3: {  	[sflag:s23] =	ssyncset.done $0x0  }
0xa4: {  	s25 =	simm.s32 $0x1B8E;
	s24 =	sld [smem:$0x3FFE];
	[sflag:s23] =	ssyncadd.s32 $0xFFFFFFFF  }
0xa5: {  	s26 =	simm.s32 $execute0_lowered;
	[smem:$0x3FD2] =	sst s25  }
0xa6: {  	s5 =	sshll.u32 s26, $0x1;
	_ =	strace $0x80000049;
	[dreg:$0x1] =	wrdreg $0xFFFFFFFF  }
0xa7: {  	s28 =	simm.s32 $_size_execute0_lowered;
	s3 =	sadd.s32 s3, s5;
	[dreg:$0x0] =	wrdreg $0x0  }
0xa8: {  	s5 =	sshll.u32 s28, $0x1;
	[dreg:$0x2] =	wrdreg s3  }
0xa9: {  	[dreg:$0x3] =	wrdreg s5  }
0xaa: {  	[dreg:$0x4] =	wrdreg $0xC0  }
0xab: {  	_ =	task [dreg:s7], $0x5FFFF  }
0xac: {  	[dreg:$0x1] =	wrdreg $0xFFFFFFFF  }
0xad: {  	[dreg:$0x0] =	wrdreg $0x60  }
0xae: {  	[dreg:$0x2] =	wrdreg s24  }
0xaf: {  	[dreg:$0x3] =	wrdreg s2  }
0xb0: {  	[dreg:$0x4] =	wrdreg $0x41000  }
0xb1: {  	[dreg:$0x5] =	wrdreg $0x9  }
0xb2: {  	_ =	task.clear_ibuf [dreg:s7], $0x6FFFF;
	_ =	strace $0x90000049  }
0xb3: {  	s29 =	simm.s32 $0x9;
	_ =	strace $0x8000004B  }
0xb4: {  	_ =	swait.ge [sflag:s29], $0x1  }
0xb5: {  	[sflag:s29] =	ssyncadd.s32 $0xFFFFFFFF  }
0xb6: {  	_ =	strace $0x9000004B  }
0xb7: {  	_ =	sfence  }
0xb8: {  	s30 =	sld [smem:$0x0];
	_ =	sdelay $0x2  }
0xb9: {  	s31 =	sshll.u32 s1, $0xD;
	s1 =	sshrl.u32 s1, $0x2  }
0xba: {  	s3 =	sand.u32 $0x4000, s31;
	s1 =	sadd.s32 s1, s30  }
0xbb: {  	s0 =	sor.u32 s3, s0;
	s1 =	sshll.u32 s1, $0x11  }
0xbc: {  	s0 =	sor.u32 s1, s0  }
0xbd: {  	s0 =	sadd.s32 $0x8F2B, s0  }
0xbe: {  	[sflag:s0] =	ssyncadd.remote.s32 $0x1  }
0xbf: {  	_ =	sfence.sel $0xFFFF  }
0xc0: {  	[dreg:$0x0] =	wrdreg $0xFFFFFFFF;
	(pc) =	sbr.abs _section_cstart, $3  }
0xc1: {  	[dreg:$0x1] =	wrdreg $0xFFFFFFFF  }
0xc2: {  	_ =	task.clear_ibuf [dreg:s7], $0x2FFFF;
	_ =	strace $0x9FFFFFFF  }
0xc3: {  	(tm) =	ssettm $0x7FFFFFFF  }
tec
execute0_lowered:
.L_overlay_start_1:
0x0: {  	(tag) =	ssettag $0x1  }
0x1: {  	s5 =	rddreg [dreg:$0x0]  }
0x2: {  	s20 =	rddreg [dreg:$0x1]  }
0x3: {  	s1 =	rddreg [dreg:$0x2];
	s0 =	stileid.u32  }
0x4: {  	s2 =	srdreg.scid;
	s3 =	simm.s32 $0x0;
	s8 =	smul.u32 $0x50000, s0  }
0x5: {  	s28 =	simm.s32 $0x0;
	s7 =	sand.u32 $0x1, s2;
	s17 =	smul.u32 $0x14000, s0  }
0x6: {  	[smem:$0x7FF] =	sst s3;
	s4 =	sadd.s32 $0x16200, s5;
	s6 =	smul.u32 $0x4F00, s7  }
0x7: {  	_ =	strace $0x8000004A;
	s9 =	ssub.s32 $0x2, s7;
	s18 =	smul.u32 $0x140000, s7  }
0x8: {  	s24 =	sshrl.u32 s8, $0x2;
	s25 =	sshrl.u32 s9, $0x1;
	s13 =	sadd.s32 $0x4000, s17  }
0x9: {  	s15 =	sadd.s32 $0x8000, s17;
	s21 =	sadd.s32 $0xC000, s17;
	s23 =	sadd.s32 $0x10000, s17  }
0xa: {  	s19 =	sadd.s32 s6, s5;
	s5 =	sadd.s32 $0xBA00, s5;
	s6 =	sadd.s32 s24, s1  }
0xb: {  	s11 =	ssub.s32 s9, s25;
	s12 =	sadd.s32 s18, s17;
	s14 =	sadd.s32 s18, s13  }
0xc: {  	s16 =	sadd.s32 s18, s15;
	s13 =	sadd.s32 s13, s1;
	s15 =	sadd.s32 s15, s1  }
0xd: {  	s22 =	sadd.s32 s18, s21;
	s24 =	smul.u32 $0x4F0, s0;
	s17 =	sadd.s32 s21, s1  }
0xe: {  	s29 =	sadd.s32 s18, s23;
	s25 =	simm.s32 $0x80;
	s7 =	sadd.s32 $0x4000, s6  }
0xf: {  	s8 =	sadd.s32 $0x8000, s6;
	s9 =	sadd.s32 $0xC000, s6;
	s10 =	sadd.s32 $0x10000, s6  }
0x10: {  	s11 =	smax.u32 s11, $0x1;
	s12 =	sshrl.u32 s12, $0x3;
	s14 =	sshrl.u32 s14, $0x3  }
0x11: {  	s16 =	sshrl.u32 s16, $0x3;
	s26 =	sshrl.u32 s22, $0x3;
	s30 =	sshrl.u32 s29, $0x3  }
0x12: {  	s12 =	sadd.s32 s20, s12;
	s14 =	sadd.s32 s20, s14;
	s16 =	sadd.s32 s20, s16  }
0x13: {  	s18 =	sadd.s32 s20, s26;
	s31 =	sadd.s32 s24, s19;
	s19 =	sadd.s32 s23, s1  }
0x14: {  	s20 =	sadd.s32 s20, s30;
	s23 =	simm.s32 $0x100;
	s24 =	simm.s32 $0x2  }
0x15: {  	s26 =	simm.s32 $0x1;
	s21 =	sadd.s32 $0x1C00, s31;
	s22 =	sadd.s32 $0xC400, s31  }
.LBB2_1:
0x16: {  	[tilespmem:s23], [sflag:$0x2] =	stream.linear.gather [hbm4b:s5+s3], $0x4000, $0x38;
	[tilespmem:$0x18100] =	vst v63  }
0x17: {  	_ =	swait.ge [sflag:s24], $0x4000  }
0x18: {  	[sflag:s24] =	ssyncset.done $0x0  }
0x19: {  	[sflag:s24] =	ssyncadd.s32 $0xFFFFC000  }
0x1a: {  	[spmem:s6] =	stream.linear.scatter [tilespmem:s23], [sflag:$0x2], $0x4000, $0x38;
	[tilespmem:$0x18100] =	vst v63  }
0x1b: {  	_ =	swait.ge [sflag:s24], $0x4000  }
0x1c: {  	[sflag:s24] =	ssyncset.done $0x0  }
0x1d: {  	[sflag:s24] =	ssyncadd.s32 $0xFFFFC000  }
0x1e: {  	[spmem:s7] =	stream.linear.scatter [tilespmem:s23], [sflag:$0x2], $0x4000, $0x38;
	[tilespmem:$0x18100] =	vst v63  }
0x1f: {  	_ =	swait.ge [sflag:s24], $0x4000  }
0x20: {  	[sflag:s24] =	ssyncset.done $0x0  }
0x21: {  	[sflag:s24] =	ssyncadd.s32 $0xFFFFC000  }
0x22: {  	[spmem:s8] =	stream.linear.scatter [tilespmem:s23], [sflag:$0x2], $0x4000, $0x38;
	[tilespmem:$0x18100] =	vst v63  }
0x23: {  	_ =	swait.ge [sflag:s24], $0x4000  }
0x24: {  	[sflag:s24] =	ssyncset.done $0x0  }
0x25: {  	[sflag:s24] =	ssyncadd.s32 $0xFFFFC000  }
0x26: {  	[spmem:s9] =	stream.linear.scatter [tilespmem:s23], [sflag:$0x2], $0x4000, $0x38;
	[tilespmem:$0x18100] =	vst v63  }
0x27: {  	_ =	swait.ge [sflag:s24], $0x4000  }
0x28: {  	[sflag:s24] =	ssyncset.done $0x0  }
0x29: {  	[sflag:s24] =	ssyncadd.s32 $0xFFFFC000  }
0x2a: {  	[spmem:s10] =	stream.linear.scatter [tilespmem:s23], [sflag:$0x2], $0x4000, $0x38;
	[tilespmem:$0x18100] =	vst v63  }
0x2b: {  	_ =	swait.ge [sflag:s24], $0x4000  }
0x2c: {  	[sflag:s24] =	ssyncset.done $0x0  }
0x2d: {  	[sflag:s24] =	ssyncadd.s32 $0xFFFFC000  }
0x2e: {  	s29 =	sadd.s32 $0x0, s22;
	[bflag:$0x0] =	sbarrier.arrive $0xFFFF  }
0x2f: {  	[tilespmem:s3], [sflag:$0x2] =	stream.linear.gather [hbm4b:s29+s3], $0x80, $0x38;
	[tilespmem:$0x18100] =	vst v63  }
0x30: {  	_ =	swait.ge [sflag:s24], $0x80  }
0x31: {  	[sflag:s24] =	ssyncset.done $0x0  }
0x32: {  	s29 =	sadd.s32 $0x0, s21;
	[sflag:s24] =	ssyncadd.s32 $0xFFFFFF80  }
0x33: {  	[tilespmem:s25], [sflag:$0x2] =	stream.linear.gather [hbm4b:s29+s3], $0x80, $0x38;
	[tilespmem:$0x18100] =	vst v63  }
0x34: {  	_ =	swait.ge [sflag:s24], $0x80  }
0x35: {  	[sflag:s24] =	ssyncset.done $0x0  }
0x36: {  	[sflag:s24] =	ssyncadd.s32 $0xFFFFFF80  }
0x37: {  	[tilespmem:s23], [sflag:$0x1] =	stream.indirect.gather [hbm4b:s4+s25], $0x80, s3, s25, $0xb8;
	[tilespmem:$0x18100] =	vst v63  }
0x38: {  	_ =	swait.ge [sflag:s26], $0x4000  }
0x39: {  	[sflag:s26] =	ssyncset.done $0x0  }
0x3a: {  	[sflag:s26] =	ssyncadd.s32 $0xFFFFC000  }
0x3b: {  	[spmem:s1] =	stream.indirect.scatter.add.f32 [tilespmem:s23], [sflag:$0x2], $0x80, s25, s25, $0xb8;
	[tilespmem:$0x18100] =	vst v63  }
0x3c: {  	_ =	swait.ge [sflag:s24], $0x4000  }
0x3d: {  	s30 =	simm.s32 $0x20;
	s29 =	simm.s32 $0x10;
	[sflag:s24] =	ssyncset.done $0x0  }
.LBB2_2:
0x3e: {  	s31 =	sadd.s32 s29, s22  }
0x3f: {  	[sflag:s24] =	ssyncadd.s32 $0xFFFFC000;
	s0 =	smov.u32 s30;
	s2 =	sadd.s32 $0x10, s30  }
0x40: {  	[tilespmem:s3], [sflag:$0x2] =	stream.linear.gather [hbm4b:s31+s3], $0x80, $0x38;
	[tilespmem:$0x18100] =	vst v63  }
0x41: {  	p0 =	sne.s32 s30, $0x4E0;
	_ =	swait.ge [sflag:s24], $0x80  }
0x42: {  	[sflag:s24] =	ssyncset.done $0x0  }
0x43: {  	s30 =	sadd.s32 s29, s21;
	s29 =	smov.u32 s0;
	[sflag:s24] =	ssyncadd.s32 $0xFFFFFF80  }
0x44: {  	[tilespmem:s25], [sflag:$0x2] =	stream.linear.gather [hbm4b:s30+s3], $0x80, $0x38;
	[tilespmem:$0x18100] =	vst v63  }
0x45: {  	_ =	swait.ge [sflag:s24], $0x80  }
0x46: {  	[sflag:s24] =	ssyncset.done $0x0  }
0x47: {  	[sflag:s24] =	ssyncadd.s32 $0xFFFFFF80  }
0x48: {  	[tilespmem:s23], [sflag:$0x1] =	stream.indirect.gather [hbm4b:s4+s25], $0x80, s3, s25, $0xb8;
	[tilespmem:$0x18100] =	vst v63  }
0x49: {  	_ =	swait.ge [sflag:s26], $0x4000  }
.Ltmp0:
0x4a: {  	[sflag:s26] =	ssyncset.done $0x0;
	(pc) =	sbr.rel @p0 .LBB2_2-.Ltmp0, $4  }
0x4b: {  	[sflag:s26] =	ssyncadd.s32 $0xFFFFC000  }
0x4c: {  	[spmem:s1] =	stream.indirect.scatter.add.f32 [tilespmem:s23], [sflag:$0x2], $0x80, s25, s25, $0xb8;
	[tilespmem:$0x18100] =	vst v63  }
0x4d: {  	_ =	swait.ge [sflag:s24], $0x4000  }
0x4e: {  	s30 =	smov.u32 s2;
	[sflag:s24] =	ssyncset.done $0x0  }
0x4f: {  	s0 =	sadd.s32 s29, s22;
	[sflag:s24] =	ssyncadd.s32 $0xFFFFC000  }
0x50: {  	[tilespmem:s3], [sflag:$0x2] =	stream.linear.gather [hbm4b:s0+s3], $0x80, $0x38;
	[tilespmem:$0x18100] =	vst v63  }
0x51: {  	_ =	swait.ge [sflag:s24], $0x80  }
0x52: {  	[sflag:s24] =	ssyncset.done $0x0  }
0x53: {  	s31 =	sadd.s32 s29, s21;
	[sflag:s24] =	ssyncadd.s32 $0xFFFFFF80  }
0x54: {  	[tilespmem:s25], [sflag:$0x2] =	stream.linear.gather [hbm4b:s31+s3], $0x80, $0x38;
	[tilespmem:$0x18100] =	vst v63  }
0x55: {  	_ =	swait.ge [sflag:s24], $0x80  }
0x56: {  	[sflag:s24] =	ssyncset.done $0x0  }
0x57: {  	[sflag:s24] =	ssyncadd.s32 $0xFFFFFF80  }
0x58: {  	[tilespmem:s23], [sflag:$0x1] =	stream.indirect.gather [hbm4b:s4+s25], $0x80, s3, s25, $0xb8;
	[tilespmem:$0x18100] =	vst v63  }
0x59: {  	_ =	swait.ge [sflag:s26], $0x4000  }
0x5a: {  	[sflag:s26] =	ssyncset.done $0x0  }
0x5b: {  	[sflag:s26] =	ssyncadd.s32 $0xFFFFC000  }
0x5c: {  	[spmem:s1] =	stream.indirect.scatter.add.f32 [tilespmem:s23], [sflag:$0x2], $0x80, s25, s25, $0xb8;
	[tilespmem:$0x18100] =	vst v63  }
0x5d: {  	_ =	swait.ge [sflag:s24], $0x4000  }
0x5e: {  	[sflag:s24] =	ssyncset.done $0x0  }
0x5f: {  	[sflag:s24] =	ssyncadd.s32 $0xFFFFC000  }
0x60: {  	[bflag:$0x0] =	sbarrier.arrive $0xFFFF  }
0x61: {  	[tilespmem:s23], [sflag:$0x2] =	stream.linear.gather [spmem:s6], $0x4000, $0x38;
	[tilespmem:$0x18100] =	vst v63  }
0x62: {  	_ =	swait.ge [sflag:s24], $0x4000  }
0x63: {  	[sflag:s24] =	ssyncset.done $0x0  }
0x64: {  	[sflag:s24] =	ssyncadd.s32 $0xFFFFC000  }
0x65: {  	[hbm4b:s12+s3] =	stream.linear.scatter [tilespmem:s23], [sflag:$0x2], $0x4000, $0x38;
	[tilespmem:$0x18100] =	vst v63  }
0x66: {  	_ =	swait.ge [sflag:s24], $0x4000  }
0x67: {  	[sflag:s24] =	ssyncset.done $0x0  }
0x68: {  	[sflag:s24] =	ssyncadd.s32 $0xFFFFC000  }
0x69: {  	[tilespmem:s23], [sflag:$0x2] =	stream.linear.gather [spmem:s13], $0x4000, $0x38;
	[tilespmem:$0x18100] =	vst v63  }
0x6a: {  	_ =	swait.ge [sflag:s24], $0x4000  }
0x6b: {  	[sflag:s24] =	ssyncset.done $0x0  }
0x6c: {  	[sflag:s24] =	ssyncadd.s32 $0xFFFFC000  }
0x6d: {  	[hbm4b:s14+s3] =	stream.linear.scatter [tilespmem:s23], [sflag:$0x2], $0x4000, $0x38;
	[tilespmem:$0x18100] =	vst v63  }
0x6e: {  	_ =	swait.ge [sflag:s24], $0x4000  }
0x6f: {  	[sflag:s24] =	ssyncset.done $0x0  }
0x70: {  	[sflag:s24] =	ssyncadd.s32 $0xFFFFC000  }
0x71: {  	[tilespmem:s23], [sflag:$0x2] =	stream.linear.gather [spmem:s15], $0x4000, $0x38;
	[tilespmem:$0x18100] =	vst v63  }
0x72: {  	_ =	swait.ge [sflag:s24], $0x4000  }
0x73: {  	[sflag:s24] =	ssyncset.done $0x0  }
0x74: {  	[sflag:s24] =	ssyncadd.s32 $0xFFFFC000  }
0x75: {  	[hbm4b:s16+s3] =	stream.linear.scatter [tilespmem:s23], [sflag:$0x2], $0x4000, $0x38;
	[tilespmem:$0x18100] =	vst v63  }
0x76: {  	_ =	swait.ge [sflag:s24], $0x4000  }
0x77: {  	[sflag:s24] =	ssyncset.done $0x0  }
0x78: {  	[sflag:s24] =	ssyncadd.s32 $0xFFFFC000  }
0x79: {  	[tilespmem:s23], [sflag:$0x2] =	stream.linear.gather [spmem:s17], $0x4000, $0x38;
	[tilespmem:$0x18100] =	vst v63  }
0x7a: {  	_ =	swait.ge [sflag:s24], $0x4000  }
0x7b: {  	[sflag:s24] =	ssyncset.done $0x0  }
0x7c: {  	[sflag:s24] =	ssyncadd.s32 $0xFFFFC000  }
0x7d: {  	[hbm4b:s18+s3] =	stream.linear.scatter [tilespmem:s23], [sflag:$0x2], $0x4000, $0x38;
	[tilespmem:$0x18100] =	vst v63  }
0x7e: {  	_ =	swait.ge [sflag:s24], $0x4000  }
0x7f: {  	[sflag:s24] =	ssyncset.done $0x0  }
0x80: {  	[sflag:s24] =	ssyncadd.s32 $0xFFFFC000  }
0x81: {  	[tilespmem:s23], [sflag:$0x2] =	stream.linear.gather [spmem:s19], $0x4000, $0x38;
	[tilespmem:$0x18100] =	vst v63  }
0x82: {  	s28 =	sadd.s32 $0x1, s28;
	_ =	swait.ge [sflag:s24], $0x4000  }
0x83: {  	p0 =	sne.s32 s28, s11;
	[sflag:s24] =	ssyncset.done $0x0  }
.Ltmp1:
0x84: {  	[sflag:s24] =	ssyncadd.s32 $0xFFFFC000;
	(pc) =	sbr.rel @p0 .LBB2_1-.Ltmp1, $4  }
0x85: {  	[hbm4b:s20+s3] =	stream.linear.scatter [tilespmem:s23], [sflag:$0x2], $0x4000, $0x38;
	[tilespmem:$0x18100] =	vst v63  }
0x86: {  	_ =	swait.ge [sflag:s24], $0x4000  }
0x87: {  	[sflag:s24] =	ssyncset.done $0x0  }
0x88: {  	[sflag:s24] =	ssyncadd.s32 $0xFFFFC000  }
0x89: {  	_ =	sfence.sel $0x180000  }
0x8a: {  	[bflag:$0x0] =	sbarrier.arrive $0xFFFF  }
0x8b: {  	_ =	strace $0x9000004A  }
0x8c: {  	s0 =	stileid.u32;
	[bflag:$0x2] =	sbarrier.arrive $0xFFFF  }
0x8d: {  	p0 =	sne.s32 s0, $0x0;
	s0 =	rddreg [dreg:$0x3]  }
0x8e: {  	s0 =	sadd.s32 @!p0 $0x100000, s0  }
0x8f: {  	[sflag:s0] =	ssyncadd.tile.s32 @!p0 $0x1;
	_ =	shalt  }
.Lfunc_end2:
_tile_overlayer_lowered:
.L_overlay_start_2:
0x90: {  	(tag) =	ssettag $0x2  }
0x91: {  	s0 =	rddreg [dreg:$0x0];
	s2 =	stileid.u32  }
0x92: {  	s1 =	rddreg [dreg:$0x1];
	p0 =	sne.s32 s2, $0x0  }
0x93: {  	s3 =	rddreg [dreg:$0x2];
	[bflag:$0x3] =	sbarrier.arrive $0xFFFF;
	s2 =	simm.s32 @!p0 $0x1C02  }
0x94: {  	[timem:s3], [sflag:s2] =	dma.local @!p0 [hbm:s0], s1  }
0x95: {  	s0 =	simm.s32 @!p0 $0x2  }
0x96: {  	_ =	swait.ge @!p0 [sflag:s0], s1  }
0x97: {  	s1 =	ssub.s32 @!p0 $0x0, s1;
	[sflag:s0] =	ssyncset.done @!p0 $0x0  }
0x98: {  	[sflag:s0] =	ssyncadd.s32 @!p0 s1  }
0x99: {  	[bflag:$0x3] =	sbarrier.arrive $0xFFFF  }
0x9a: {  	_ =	shalt  }

// kernel: kernel.14.cloned.1.call-start
scs
__scs_entry_jumppad:
0x0: {  	(pc) =	sbr.rel $0x88, $3  }
0x1: {  	(tag) =	ssettag $0x0;
	lr =	simm.s32 $0x1  }
0x2: {  	[smem:$0x3F9C] =	sst lr;
	_ =	strace $0xD0000000  }
0x3: {  	_ = 	snop  }
0x4: {  	_ = 	snop  }
0x5: {  	_ = 	snop  }
0x6: {  	_ = 	snop  }
0x7: {  	_ = 	snop  }
__scs_overlays_trampoline_lowered:
0x8: {  	[smem:$0x3FAB] =	sst s0  }
0x9: {  	[smem:$0x3FAC] =	sst s1  }
0xa: {  	[smem:$0x3FAD] =	sst s2  }
0xb: {  	[smem:$0x3FAE] =	sst s3  }
0xc: {  	[smem:$0x3FAF] =	sst s4  }
0xd: {  	[smem:$0x3FB0] =	sst s5  }
0xe: {  	[smem:$0x3FB1] =	sst s6  }
0xf: {  	[smem:$0x3FB2] =	sst s7  }
0x10: {  	[smem:$0x3FB3] =	sst s8  }
0x11: {  	[smem:$0x3FB4] =	sst s9;
	s0 =	simm.s32 @!p0 $0x0  }
0x12: {  	s1 =	sld [smem:$0x3F9A];
	s0 =	simm.s32 @p0 $0x1  }
0x13: {  	[smem:$0x3FB5] =	sst s0;
	s0 =	simm.s32 @!p1 $0x0  }
0x14: {  	s2 =	sld [smem:$0x3F99];
	s0 =	simm.s32 @p1 $0x1  }
0x15: {  	[smem:$0x3FB6] =	sst s0;
	s0 =	simm.s32 @!p2 $0x0  }
0x16: {  	s3 =	sld [smem:$0x3FDB];
	s0 =	simm.s32 @p2 $0x1  }
0x17: {  	s4 =	simm.s32 $0x1BF5;
	[smem:$0x3FB8] =	sst s0  }
0x18: {  	s0 =	sld [smem:$0x3F9B];
	_ =	swait.ge [sflag:s4], $0x0  }
0x19: {  	s7 =	sld [smem:$0x3F9C]  }
0x1a: {  	s8 =	sadd.s32 $0xFFFFE003, lr  }
0x1b: {  	s9 =	sadd.s32 $0xFFFFFEF7, lr;
	s5 =	simm.s32 $0xFFFFFFFF;
	p2 =	slt.u32 s8, $0xFFFFF086  }
0x1c: {  	p1 =	slt.u32 s9, $0xF7A;
	s5 =	simm.s32 @!p2 $0x0  }
0x1d: {  	s5 =	simm.s32 @p1 $0x1;
	p0 =	seq.s32 s7, s2  }
0x1e: {  	s7 =	smul.u32 @!p0 $0xF7A, s2;
	p2 =	seq.s32 @!p0 s5, $0x0  }
0x1f: {  	s9 =	smul.u32 $0xF7A, s1;
	s8 =	simm.s32 @!p0 $0x1BF5;
	p2 =	por !p2, p0  }
0x20: {  	[sflag:s8] =	ssyncset.s32 @!p0 $0xFFFFF086;
	s6 =	sadd.s32 @!p0 s3, s7;
	s7 =	simm.s32 @!p0 $0x108  }
0x21: {  	s3 =	sadd.s32 s3, s9;
	s6 =	sadd.s32 @!p0 $0x88, s6;
	s7 =	simm.s32 @p2 $0x1082  }
0x22: {  	[simem:s7], [sflag:s8] =	dma.local @!p0 [hbm:s6], $0xF7A  }
0x23: {  	s9 =	sor.u32 $0xD0000000, s2;
	s6 =	simm.s32 $0x108;
	_ =	swait.ge @!p0 [sflag:s8], $0x0  }
0x24: {  	s3 =	sadd.s32 $0x88, s3;
	s6 =	simm.s32 @!p1 $0x1082;
	[sflag:s4] =	ssyncset.s32 $0xFFFFF086  }
0x25: {  	[simem:s6], [sflag:s4] =	dma.local [hbm:s3], $0xF7A  }
0x26: {  	[smem:$0x3F9C] =	sst s1;
	(tag) =	ssettag s2;
	_ =	strace s9  }
0x27: {  	s1 =	sld [smem:$0x3FAC]  }
0x28: {  	s2 =	sld [smem:$0x3FAD]  }
0x29: {  	s4 =	sld [smem:$0x3FAF]  }
0x2a: {  	p0 =	seq.s32 s5, $0x0;
	s5 =	sld [smem:$0x3FB0]  }
0x2b: {  	s6 =	sld [smem:$0x3FB1]  }
0x2c: {  	s7 =	sld [smem:$0x3FB2]  }
0x2d: {  	s3 =	simm.s32 $0x108;
	s8 =	sld [smem:$0x3FB3]  }
0x2e: {  	s3 =	simm.s32 @!p0 $0x1082;
	s9 =	sld [smem:$0x3FB4]  }
0x2f: {  	lr =	sadd.s32 s0, s3;
	s0 =	sld [smem:$0x3FAB]  }
0x30: {  	s3 =	sld [smem:$0x3FAE]  }
0x31: {  	[smem:$0x3FB7] =	sst s10  }
0x32: {  	s10 =	sld [smem:$0x3FB5];
	_ =	sdelay $0x3  }
0x33: {  	p0 =	seq.s32 s10, $0x1;
	s10 =	sld [smem:$0x3FB7];
	_ =	sdelay $0x3  }
0x34: {  	[smem:$0x3FB7] =	sst s10  }
0x35: {  	s10 =	sld [smem:$0x3FB6];
	_ =	sdelay $0x3  }
0x36: {  	p1 =	seq.s32 s10, $0x1;
	s10 =	sld [smem:$0x3FB7];
	_ =	sdelay $0x3  }
0x37: {  	[smem:$0x3FB7] =	sst s10  }
0x38: {  	s10 =	sld [smem:$0x3FB8]  }
0x39: {  	_ = 	snop;
	(pc) =	sbr.ind lr, $3  }
0x3a: {  	_ = 	snop  }
0x3b: {  	_ = 	snop  }
0x3c: {  	p2 =	seq.s32 s10, $0x1;
	s10 =	sld [smem:$0x3FB7]  }
0x3d: {  	_ =	shalt  }
0x3e: {  	_ =	shalt  }
0x3f: {  	_ =	shalt  }
0x40: {  	_ =	shalt  }
0x41: {  	_ =	shalt  }
0x42: {  	_ =	shalt  }
0x43: {  	_ =	shalt  }
0x44: {  	_ =	shalt  }
0x45: {  	_ =	shalt  }
0x46: {  	_ =	shalt  }
0x47: {  	_ =	shalt  }
0x48: {  	_ =	shalt  }
0x49: {  	_ =	shalt  }
0x4a: {  	_ =	shalt  }
0x4b: {  	_ =	shalt  }
0x4c: {  	_ =	shalt  }
0x4d: {  	_ =	shalt  }
0x4e: {  	_ =	shalt  }
0x4f: {  	_ =	shalt  }
0x50: {  	_ =	shalt  }
0x51: {  	_ =	shalt  }
0x52: {  	_ =	shalt  }
0x53: {  	_ =	shalt  }
0x54: {  	_ =	shalt  }
0x55: {  	_ =	shalt  }
0x56: {  	_ =	shalt  }
0x57: {  	_ =	shalt  }
0x58: {  	_ =	shalt  }
0x59: {  	_ =	shalt  }
0x5a: {  	_ =	shalt  }
0x5b: {  	_ =	shalt  }
0x5c: {  	_ =	shalt  }
0x5d: {  	_ =	shalt  }
0x5e: {  	_ =	shalt  }
0x5f: {  	_ =	shalt  }
0x60: {  	_ =	shalt  }
0x61: {  	_ =	shalt  }
0x62: {  	_ =	shalt  }
0x63: {  	_ =	shalt  }
0x64: {  	_ =	shalt  }
0x65: {  	_ =	shalt  }
0x66: {  	_ =	shalt  }
0x67: {  	_ =	shalt  }
0x68: {  	_ =	shalt  }
0x69: {  	_ =	shalt  }
0x6a: {  	_ =	shalt  }
0x6b: {  	_ =	shalt  }
0x6c: {  	_ =	shalt  }
0x6d: {  	_ =	shalt  }
0x6e: {  	_ =	shalt  }
0x6f: {  	_ =	shalt  }
0x70: {  	_ =	shalt  }
0x71: {  	_ =	shalt  }
0x72: {  	_ =	shalt  }
0x73: {  	_ =	shalt  }
0x74: {  	_ =	shalt  }
0x75: {  	_ =	shalt  }
0x76: {  	_ =	shalt  }
0x77: {  	_ =	shalt  }
0x78: {  	_ =	shalt  }
0x79: {  	_ =	shalt  }
0x7a: {  	_ =	shalt  }
0x7b: {  	_ =	shalt  }
0x7c: {  	_ =	shalt  }
0x7d: {  	_ =	shalt  }
0x7e: {  	_ =	shalt  }
0x7f: {  	_ =	shalt  }
0x80: {  	_ =	shalt  }
0x81: {  	_ =	shalt  }
0x82: {  	_ =	shalt  }
0x83: {  	_ =	shalt  }
0x84: {  	_ =	shalt  }
0x85: {  	_ =	shalt  }
0x86: {  	_ =	shalt  }
0x87: {  	_ =	shalt  }
.Lfunc_end0:
.L_simem_size_0:
called_computation.2_lowered:
.L_overlay_start_0:
0x88: {  	s2 =	sld [smem:$0x3FD9]  }
0x89: {  	s3 =	sld [smem:$0x3FFE];
	_ =	sdelay $0x1  }
0x8a: {  	s1 =	srdreg.scid  }
0x8b: {  	s0 =	sand.u32 $0x1, s1  }
0x8c: {  	s17 =	sshll.u32 s0, $0xA;
	s2 =	sadd.s32 s3, s2  }
0x8d: {  	s2 =	sadd.s32 s2, s17  }
0x8e: {  	[smem:$0x3FC3] =	sst s2  }
0x8f: {  	_ = 	snop  }
0x90: {  	s2 =	sld [smem:$0x3FD0];
	(tm) =	ssettm $0x1  }
0x91: {  	s18 =	sld [smem:$0x3FFB];
	_ =	sdelay $0x3  }
0x92: {  	_ =	strace s18  }
0x93: {  	s3 =	sld [smem:$0x3FFC];
	_ =	sdelay $0x3  }
0x94: {  	_ =	strace s3  }
0x95: {  	s3 =	sld [smem:$0x3FFD];
	_ =	sdelay $0x3  }
0x96: {  	_ =	strace s3  }
0x97: {  	_ =	strace $0x8FFFFFFF  }
0x98: {  	s19 =	sld [smem:$0x3FDB];
	_ =	sdelay $0x1  }
0x99: {  	s4 =	simm.s32 $_scs_section_size  }
0x9a: {  	s5 =	simm.s32 $_size__tile_overlayer_lowered;
	s6 =	simm.s32 $_tile_overlayer_lowered  }
0x9b: {  	s22 =	simm.s32 $0x1BFF;
	s21 =	sshll.u32 s6, $0x1;
	s3 =	sadd.s32 s4, s19  }
0x9c: {  	s7 =	simm.s32 $0x0;
	s20 =	sshll.u32 s5, $0x1;
	s5 =	sadd.s32 s21, s3  }
0x9d: {  	[timem:s7], [sflag:s22] =	dma.local [hbm:s5], s20  }
0x9e: {  	_ =	swait.ge [sflag:s22], s20  }
0x9f: {  	s4 =	ssub.s32 $0x0, s20;
	[sflag:s22] =	ssyncset.done $0x0  }
0xa0: {  	[sflag:s22] =	ssyncadd.s32 s4;
	_ =	sdelay $0x1  }
0xa1: {  	s23 =	simm.s32 $0x1B8B  }
0xa2: {  	_ =	swait.ge [sflag:s23], $0x1  }
0xa3: {  	[sflag:s23] =	ssyncset.done $0x0  }
0xa4: {  	s25 =	simm.s32 $0x1B8E;
	s24 =	sld [smem:$0x3FFE];
	[sflag:s23] =	ssyncadd.s32 $0xFFFFFFFF  }
0xa5: {  	s26 =	simm.s32 $execute0_lowered;
	[smem:$0x3FD2] =	sst s25  }
0xa6: {  	s5 =	sshll.u32 s26, $0x1;
	_ =	strace $0x8000004C;
	[dreg:$0x1] =	wrdreg $0xFFFFFFFF  }
0xa7: {  	s28 =	simm.s32 $_size_execute0_lowered;
	s3 =	sadd.s32 s3, s5;
	[dreg:$0x0] =	wrdreg $0x0  }
0xa8: {  	s5 =	sshll.u32 s28, $0x1;
	[dreg:$0x2] =	wrdreg s3  }
0xa9: {  	[dreg:$0x3] =	wrdreg s5  }
0xaa: {  	[dreg:$0x4] =	wrdreg $0xC0  }
0xab: {  	_ =	task [dreg:s7], $0x5FFFF  }
0xac: {  	[dreg:$0x1] =	wrdreg $0xFFFFFFFF  }
0xad: {  	[dreg:$0x0] =	wrdreg $0x60  }
0xae: {  	[dreg:$0x2] =	wrdreg s24  }
0xaf: {  	[dreg:$0x3] =	wrdreg s2  }
0xb0: {  	[dreg:$0x4] =	wrdreg $0x41000  }
0xb1: {  	[dreg:$0x5] =	wrdreg $0x9  }
0xb2: {  	_ =	task.clear_ibuf [dreg:s7], $0x6FFFF;
	_ =	strace $0x9000004C  }
0xb3: {  	s29 =	simm.s32 $0x9;
	_ =	strace $0x8000004E  }
0xb4: {  	_ =	swait.ge [sflag:s29], $0x1  }
0xb5: {  	[sflag:s29] =	ssyncadd.s32 $0xFFFFFFFF  }
0xb6: {  	_ =	strace $0x9000004E  }
0xb7: {  	_ =	sfence  }
0xb8: {  	s30 =	sld [smem:$0x0];
	_ =	sdelay $0x2  }
0xb9: {  	s31 =	sshll.u32 s1, $0xD;
	s1 =	sshrl.u32 s1, $0x2  }
0xba: {  	s3 =	sand.u32 $0x4000, s31;
	s1 =	sadd.s32 s1, s30  }
0xbb: {  	s0 =	sor.u32 s3, s0;
	s1 =	sshll.u32 s1, $0x11  }
0xbc: {  	s0 =	sor.u32 s1, s0  }
0xbd: {  	s0 =	sadd.s32 $0x8F2B, s0  }
0xbe: {  	[sflag:s0] =	ssyncadd.remote.s32 $0x1  }
0xbf: {  	_ =	sfence.sel $0xFFFF  }
0xc0: {  	[dreg:$0x0] =	wrdreg $0xFFFFFFFF;
	(pc) =	sbr.abs _section_cstart, $3  }
0xc1: {  	[dreg:$0x1] =	wrdreg $0xFFFFFFFF  }
0xc2: {  	_ =	task.clear_ibuf [dreg:s7], $0x2FFFF;
	_ =	strace $0x9FFFFFFF  }
0xc3: {  	(tm) =	ssettm $0x7FFFFFFF  }
tec
execute0_lowered:
.L_overlay_start_1:
0x0: {  	(tag) =	ssettag $0x1  }
0x1: {  	s5 =	rddreg [dreg:$0x0]  }
0x2: {  	s20 =	rddreg [dreg:$0x1]  }
0x3: {  	s1 =	rddreg [dreg:$0x2];
	s0 =	stileid.u32  }
0x4: {  	s2 =	srdreg.scid;
	s3 =	simm.s32 $0x0;
	s8 =	smul.u32 $0x50000, s0  }
0x5: {  	s28 =	simm.s32 $0x0;
	s7 =	sand.u32 $0x1, s2;
	s17 =	smul.u32 $0x14000, s0  }
0x6: {  	[smem:$0x7FF] =	sst s3;
	s4 =	sadd.s32 $0x16200, s5;
	s6 =	smul.u32 $0x4F00, s7  }
0x7: {  	_ =	strace $0x8000004D;
	s9 =	ssub.s32 $0x2, s7;
	s18 =	smul.u32 $0x140000, s7  }
0x8: {  	s24 =	sshrl.u32 s8, $0x2;
	s25 =	sshrl.u32 s9, $0x1;
	s13 =	sadd.s32 $0x4000, s17  }
0x9: {  	s15 =	sadd.s32 $0x8000, s17;
	s21 =	sadd.s32 $0xC000, s17;
	s23 =	sadd.s32 $0x10000, s17  }
0xa: {  	s19 =	sadd.s32 s6, s5;
	s5 =	sadd.s32 $0xBA00, s5;
	s6 =	sadd.s32 s24, s1  }
0xb: {  	s11 =	ssub.s32 s9, s25;
	s12 =	sadd.s32 s18, s17;
	s14 =	sadd.s32 s18, s13  }
0xc: {  	s16 =	sadd.s32 s18, s15;
	s13 =	sadd.s32 s13, s1;
	s15 =	sadd.s32 s15, s1  }
0xd: {  	s22 =	sadd.s32 s18, s21;
	s24 =	smul.u32 $0x4F0, s0;
	s17 =	sadd.s32 s21, s1  }
0xe: {  	s29 =	sadd.s32 s18, s23;
	s25 =	simm.s32 $0x80;
	s7 =	sadd.s32 $0x4000, s6  }
0xf: {  	s8 =	sadd.s32 $0x8000, s6;
	s9 =	sadd.s32 $0xC000, s6;
	s10 =	sadd.s32 $0x10000, s6  }
0x10: {  	s11 =	smax.u32 s11, $0x1;
	s12 =	sshrl.u32 s12, $0x3;
	s14 =	sshrl.u32 s14, $0x3  }
0x11: {  	s16 =	sshrl.u32 s16, $0x3;
	s26 =	sshrl.u32 s22, $0x3;
	s30 =	sshrl.u32 s29, $0x3  }
0x12: {  	s12 =	sadd.s32 s20, s12;
	s14 =	sadd.s32 s20, s14;
	s16 =	sadd.s32 s20, s16  }
0x13: {  	s18 =	sadd.s32 s20, s26;
	s31 =	sadd.s32 s24, s19;
	s19 =	sadd.s32 s23, s1  }
0x14: {  	s20 =	sadd.s32 s20, s30;
	s23 =	simm.s32 $0x100;
	s24 =	simm.s32 $0x2  }
0x15: {  	s26 =	simm.s32 $0x1;
	s21 =	sadd.s32 $0x1C00, s31;
	s22 =	sadd.s32 $0xC400, s31  }
.LBB2_1:
0x16: {  	[tilespmem:s23], [sflag:$0x2] =	stream.linear.gather [hbm4b:s5+s3], $0x4000, $0x38;
	[tilespmem:$0x18100] =	vst v63  }
0x17: {  	_ =	swait.ge [sflag:s24], $0x4000  }
0x18: {  	[sflag:s24] =	ssyncset.done $0x0  }
0x19: {  	[sflag:s24] =	ssyncadd.s32 $0xFFFFC000  }
0x1a: {  	[spmem:s6] =	stream.linear.scatter [tilespmem:s23], [sflag:$0x2], $0x4000, $0x38;
	[tilespmem:$0x18100] =	vst v63  }
0x1b: {  	_ =	swait.ge [sflag:s24], $0x4000  }
0x1c: {  	[sflag:s24] =	ssyncset.done $0x0  }
0x1d: {  	[sflag:s24] =	ssyncadd.s32 $0xFFFFC000  }
0x1e: {  	[spmem:s7] =	stream.linear.scatter [tilespmem:s23], [sflag:$0x2], $0x4000, $0x38;
	[tilespmem:$0x18100] =	vst v63  }
0x1f: {  	_ =	swait.ge [sflag:s24], $0x4000  }
0x20: {  	[sflag:s24] =	ssyncset.done $0x0  }
0x21: {  	[sflag:s24] =	ssyncadd.s32 $0xFFFFC000  }
0x22: {  	[spmem:s8] =	stream.linear.scatter [tilespmem:s23], [sflag:$0x2], $0x4000, $0x38;
	[tilespmem:$0x18100] =	vst v63  }
0x23: {  	_ =	swait.ge [sflag:s24], $0x4000  }
0x24: {  	[sflag:s24] =	ssyncset.done $0x0  }
0x25: {  	[sflag:s24] =	ssyncadd.s32 $0xFFFFC000  }
0x26: {  	[spmem:s9] =	stream.linear.scatter [tilespmem:s23], [sflag:$0x2], $0x4000, $0x38;
	[tilespmem:$0x18100] =	vst v63  }
0x27: {  	_ =	swait.ge [sflag:s24], $0x4000  }
0x28: {  	[sflag:s24] =	ssyncset.done $0x0  }
0x29: {  	[sflag:s24] =	ssyncadd.s32 $0xFFFFC000  }
0x2a: {  	[spmem:s10] =	stream.linear.scatter [tilespmem:s23], [sflag:$0x2], $0x4000, $0x38;
	[tilespmem:$0x18100] =	vst v63  }
0x2b: {  	_ =	swait.ge [sflag:s24], $0x4000  }
0x2c: {  	[sflag:s24] =	ssyncset.done $0x0  }
0x2d: {  	[sflag:s24] =	ssyncadd.s32 $0xFFFFC000  }
0x2e: {  	s29 =	sadd.s32 $0x0, s22;
	[bflag:$0x0] =	sbarrier.arrive $0xFFFF  }
0x2f: {  	[tilespmem:s3], [sflag:$0x2] =	stream.linear.gather [hbm4b:s29+s3], $0x80, $0x38;
	[tilespmem:$0x18100] =	vst v63  }
0x30: {  	_ =	swait.ge [sflag:s24], $0x80  }
0x31: {  	[sflag:s24] =	ssyncset.done $0x0  }
0x32: {  	s29 =	sadd.s32 $0x0, s21;
	[sflag:s24] =	ssyncadd.s32 $0xFFFFFF80  }
0x33: {  	[tilespmem:s25], [sflag:$0x2] =	stream.linear.gather [hbm4b:s29+s3], $0x80, $0x38;
	[tilespmem:$0x18100] =	vst v63  }
0x34: {  	_ =	swait.ge [sflag:s24], $0x80  }
0x35: {  	[sflag:s24] =	ssyncset.done $0x0  }
0x36: {  	[sflag:s24] =	ssyncadd.s32 $0xFFFFFF80  }
0x37: {  	[tilespmem:s23], [sflag:$0x1] =	stream.indirect.gather [hbm4b:s4+s25], $0x80, s3, s25, $0xb8;
	[tilespmem:$0x18100] =	vst v63  }
0x38: {  	_ =	swait.ge [sflag:s26], $0x4000  }
0x39: {  	[sflag:s26] =	ssyncset.done $0x0  }
0x3a: {  	[sflag:s26] =	ssyncadd.s32 $0xFFFFC000  }
0x3b: {  	[spmem:s1] =	stream.indirect.scatter.add.f32 [tilespmem:s23], [sflag:$0x2], $0x80, s25, s25, $0xb8;
	[tilespmem:$0x18100] =	vst v63  }
0x3c: {  	_ =	swait.ge [sflag:s24], $0x4000  }
0x3d: {  	s30 =	simm.s32 $0x20;
	s29 =	simm.s32 $0x10;
	[sflag:s24] =	ssyncset.done $0x0  }
.LBB2_2:
0x3e: {  	s31 =	sadd.s32 s29, s22  }
0x3f: {  	[sflag:s24] =	ssyncadd.s32 $0xFFFFC000;
	s0 =	smov.u32 s30;
	s2 =	sadd.s32 $0x10, s30  }
0x40: {  	[tilespmem:s3], [sflag:$0x2] =	stream.linear.gather [hbm4b:s31+s3], $0x80, $0x38;
	[tilespmem:$0x18100] =	vst v63  }
0x41: {  	p0 =	sne.s32 s30, $0x4E0;
	_ =	swait.ge [sflag:s24], $0x80  }
0x42: {  	[sflag:s24] =	ssyncset.done $0x0  }
0x43: {  	s30 =	sadd.s32 s29, s21;
	s29 =	smov.u32 s0;
	[sflag:s24] =	ssyncadd.s32 $0xFFFFFF80  }
0x44: {  	[tilespmem:s25], [sflag:$0x2] =	stream.linear.gather [hbm4b:s30+s3], $0x80, $0x38;
	[tilespmem:$0x18100] =	vst v63  }
0x45: {  	_ =	swait.ge [sflag:s24], $0x80  }
0x46: {  	[sflag:s24] =	ssyncset.done $0x0  }
0x47: {  	[sflag:s24] =	ssyncadd.s32 $0xFFFFFF80  }
0x48: {  	[tilespmem:s23], [sflag:$0x1] =	stream.indirect.gather [hbm4b:s4+s25], $0x80, s3, s25, $0xb8;
	[tilespmem:$0x18100] =	vst v63  }
0x49: {  	_ =	swait.ge [sflag:s26], $0x4000  }
.Ltmp0:
0x4a: {  	[sflag:s26] =	ssyncset.done $0x0;
	(pc) =	sbr.rel @p0 .LBB2_2-.Ltmp0, $4  }
0x4b: {  	[sflag:s26] =	ssyncadd.s32 $0xFFFFC000  }
0x4c: {  	[spmem:s1] =	stream.indirect.scatter.add.f32 [tilespmem:s23], [sflag:$0x2], $0x80, s25, s25, $0xb8;
	[tilespmem:$0x18100] =	vst v63  }
0x4d: {  	_ =	swait.ge [sflag:s24], $0x4000  }
0x4e: {  	s30 =	smov.u32 s2;
	[sflag:s24] =	ssyncset.done $0x0  }
0x4f: {  	s0 =	sadd.s32 s29, s22;
	[sflag:s24] =	ssyncadd.s32 $0xFFFFC000  }
0x50: {  	[tilespmem:s3], [sflag:$0x2] =	stream.linear.gather [hbm4b:s0+s3], $0x80, $0x38;
	[tilespmem:$0x18100] =	vst v63  }
0x51: {  	_ =	swait.ge [sflag:s24], $0x80  }
0x52: {  	[sflag:s24] =	ssyncset.done $0x0  }
0x53: {  	s31 =	sadd.s32 s29, s21;
	[sflag:s24] =	ssyncadd.s32 $0xFFFFFF80  }
0x54: {  	[tilespmem:s25], [sflag:$0x2] =	stream.linear.gather [hbm4b:s31+s3], $0x80, $0x38;
	[tilespmem:$0x18100] =	vst v63  }
0x55: {  	_ =	swait.ge [sflag:s24], $0x80  }
0x56: {  	[sflag:s24] =	ssyncset.done $0x0  }
0x57: {  	[sflag:s24] =	ssyncadd.s32 $0xFFFFFF80  }
0x58: {  	[tilespmem:s23], [sflag:$0x1] =	stream.indirect.gather [hbm4b:s4+s25], $0x80, s3, s25, $0xb8;
	[tilespmem:$0x18100] =	vst v63  }
0x59: {  	_ =	swait.ge [sflag:s26], $0x4000  }
0x5a: {  	[sflag:s26] =	ssyncset.done $0x0  }
0x5b: {  	[sflag:s26] =	ssyncadd.s32 $0xFFFFC000  }
0x5c: {  	[spmem:s1] =	stream.indirect.scatter.add.f32 [tilespmem:s23], [sflag:$0x2], $0x80, s25, s25, $0xb8;
	[tilespmem:$0x18100] =	vst v63  }
0x5d: {  	_ =	swait.ge [sflag:s24], $0x4000  }
0x5e: {  	[sflag:s24] =	ssyncset.done $0x0  }
0x5f: {  	[sflag:s24] =	ssyncadd.s32 $0xFFFFC000  }
0x60: {  	[bflag:$0x0] =	sbarrier.arrive $0xFFFF  }
0x61: {  	[tilespmem:s23], [sflag:$0x2] =	stream.linear.gather [spmem:s6], $0x4000, $0x38;
	[tilespmem:$0x18100] =	vst v63  }
0x62: {  	_ =	swait.ge [sflag:s24], $0x4000  }
0x63: {  	[sflag:s24] =	ssyncset.done $0x0  }
0x64: {  	[sflag:s24] =	ssyncadd.s32 $0xFFFFC000  }
0x65: {  	[hbm4b:s12+s3] =	stream.linear.scatter [tilespmem:s23], [sflag:$0x2], $0x4000, $0x38;
	[tilespmem:$0x18100] =	vst v63  }
0x66: {  	_ =	swait.ge [sflag:s24], $0x4000  }
0x67: {  	[sflag:s24] =	ssyncset.done $0x0  }
0x68: {  	[sflag:s24] =	ssyncadd.s32 $0xFFFFC000  }
0x69: {  	[tilespmem:s23], [sflag:$0x2] =	stream.linear.gather [spmem:s13], $0x4000, $0x38;
	[tilespmem:$0x18100] =	vst v63  }
0x6a: {  	_ =	swait.ge [sflag:s24], $0x4000  }
0x6b: {  	[sflag:s24] =	ssyncset.done $0x0  }
0x6c: {  	[sflag:s24] =	ssyncadd.s32 $0xFFFFC000  }
0x6d: {  	[hbm4b:s14+s3] =	stream.linear.scatter [tilespmem:s23], [sflag:$0x2], $0x4000, $0x38;
	[tilespmem:$0x18100] =	vst v63  }
0x6e: {  	_ =	swait.ge [sflag:s24], $0x4000  }
0x6f: {  	[sflag:s24] =	ssyncset.done $0x0  }
0x70: {  	[sflag:s24] =	ssyncadd.s32 $0xFFFFC000  }
0x71: {  	[tilespmem:s23], [sflag:$0x2] =	stream.linear.gather [spmem:s15], $0x4000, $0x38;
	[tilespmem:$0x18100] =	vst v63  }
0x72: {  	_ =	swait.ge [sflag:s24], $0x4000  }
0x73: {  	[sflag:s24] =	ssyncset.done $0x0  }
0x74: {  	[sflag:s24] =	ssyncadd.s32 $0xFFFFC000  }
0x75: {  	[hbm4b:s16+s3] =	stream.linear.scatter [tilespmem:s23], [sflag:$0x2], $0x4000, $0x38;
	[tilespmem:$0x18100] =	vst v63  }
0x76: {  	_ =	swait.ge [sflag:s24], $0x4000  }
0x77: {  	[sflag:s24] =	ssyncset.done $0x0  }
0x78: {  	[sflag:s24] =	ssyncadd.s32 $0xFFFFC000  }
0x79: {  	[tilespmem:s23], [sflag:$0x2] =	stream.linear.gather [spmem:s17], $0x4000, $0x38;
	[tilespmem:$0x18100] =	vst v63  }
0x7a: {  	_ =	swait.ge [sflag:s24], $0x4000  }
0x7b: {  	[sflag:s24] =	ssyncset.done $0x0  }
0x7c: {  	[sflag:s24] =	ssyncadd.s32 $0xFFFFC000  }
0x7d: {  	[hbm4b:s18+s3] =	stream.linear.scatter [tilespmem:s23], [sflag:$0x2], $0x4000, $0x38;
	[tilespmem:$0x18100] =	vst v63  }
0x7e: {  	_ =	swait.ge [sflag:s24], $0x4000  }
0x7f: {  	[sflag:s24] =	ssyncset.done $0x0  }
0x80: {  	[sflag:s24] =	ssyncadd.s32 $0xFFFFC000  }
0x81: {  	[tilespmem:s23], [sflag:$0x2] =	stream.linear.gather [spmem:s19], $0x4000, $0x38;
	[tilespmem:$0x18100] =	vst v63  }
0x82: {  	s28 =	sadd.s32 $0x1, s28;
	_ =	swait.ge [sflag:s24], $0x4000  }
0x83: {  	p0 =	sne.s32 s28, s11;
	[sflag:s24] =	ssyncset.done $0x0  }
.Ltmp1:
0x84: {  	[sflag:s24] =	ssyncadd.s32 $0xFFFFC000;
	(pc) =	sbr.rel @p0 .LBB2_1-.Ltmp1, $4  }
0x85: {  	[hbm4b:s20+s3] =	stream.linear.scatter [tilespmem:s23], [sflag:$0x2], $0x4000, $0x38;
	[tilespmem:$0x18100] =	vst v63  }
0x86: {  	_ =	swait.ge [sflag:s24], $0x4000  }
0x87: {  	[sflag:s24] =	ssyncset.done $0x0  }
0x88: {  	[sflag:s24] =	ssyncadd.s32 $0xFFFFC000  }
0x89: {  	_ =	sfence.sel $0x180000  }
0x8a: {  	[bflag:$0x0] =	sbarrier.arrive $0xFFFF  }
0x8b: {  	_ =	strace $0x9000004D  }
0x8c: {  	s0 =	stileid.u32;
	[bflag:$0x2] =	sbarrier.arrive $0xFFFF  }
0x8d: {  	p0 =	sne.s32 s0, $0x0;
	s0 =	rddreg [dreg:$0x3]  }
0x8e: {  	s0 =	sadd.s32 @!p0 $0x100000, s0  }
0x8f: {  	[sflag:s0] =	ssyncadd.tile.s32 @!p0 $0x1;
	_ =	shalt  }
.Lfunc_end2:
_tile_overlayer_lowered:
.L_overlay_start_2:
0x90: {  	(tag) =	ssettag $0x2  }
0x91: {  	s0 =	rddreg [dreg:$0x0];
	s2 =	stileid.u32  }
0x92: {  	s1 =	rddreg [dreg:$0x1];
	p0 =	sne.s32 s2, $0x0  }
0x93: {  	s3 =	rddreg [dreg:$0x2];
	[bflag:$0x3] =	sbarrier.arrive $0xFFFF;
	s2 =	simm.s32 @!p0 $0x1C02  }
0x94: {  	[timem:s3], [sflag:s2] =	dma.local @!p0 [hbm:s0], s1  }
0x95: {  	s0 =	simm.s32 @!p0 $0x2  }
0x96: {  	_ =	swait.ge @!p0 [sflag:s0], s1  }
0x97: {  	s1 =	ssub.s32 @!p0 $0x0, s1;
	[sflag:s0] =	ssyncset.done @!p0 $0x0  }
0x98: {  	[sflag:s0] =	ssyncadd.s32 @!p0 s1  }
0x99: {  	[bflag:$0x3] =	sbarrier.arrive $0xFFFF  }
0x9a: {  	_ =	shalt  }

// kernel: kernel.8.cloned.1.call-start
scs
__scs_entry_jumppad:
0x0: {  	(pc) =	sbr.rel $0x88, $3  }
0x1: {  	(tag) =	ssettag $0x0;
	lr =	simm.s32 $0x1  }
0x2: {  	[smem:$0x3F9C] =	sst lr;
	_ =	strace $0xD0000000  }
0x3: {  	_ = 	snop  }
0x4: {  	_ = 	snop  }
0x5: {  	_ = 	snop  }
0x6: {  	_ = 	snop  }
0x7: {  	_ = 	snop  }
__scs_overlays_trampoline_lowered:
0x8: {  	[smem:$0x3FAB] =	sst s0  }
0x9: {  	[smem:$0x3FAC] =	sst s1  }
0xa: {  	[smem:$0x3FAD] =	sst s2  }
0xb: {  	[smem:$0x3FAE] =	sst s3  }
0xc: {  	[smem:$0x3FAF] =	sst s4  }
0xd: {  	[smem:$0x3FB0] =	sst s5  }
0xe: {  	[smem:$0x3FB1] =	sst s6  }
0xf: {  	[smem:$0x3FB2] =	sst s7  }
0x10: {  	[smem:$0x3FB3] =	sst s8  }
0x11: {  	[smem:$0x3FB4] =	sst s9;
	s0 =	simm.s32 @!p0 $0x0  }
0x12: {  	s1 =	sld [smem:$0x3F9A];
	s0 =	simm.s32 @p0 $0x1  }
0x13: {  	[smem:$0x3FB5] =	sst s0;
	s0 =	simm.s32 @!p1 $0x0  }
0x14: {  	s2 =	sld [smem:$0x3F99];
	s0 =	simm.s32 @p1 $0x1  }
0x15: {  	[smem:$0x3FB6] =	sst s0;
	s0 =	simm.s32 @!p2 $0x0  }
0x16: {  	s3 =	sld [smem:$0x3FDB];
	s0 =	simm.s32 @p2 $0x1  }
0x17: {  	s4 =	simm.s32 $0x1BF5;
	[smem:$0x3FB8] =	sst s0  }
0x18: {  	s0 =	sld [smem:$0x3F9B];
	_ =	swait.ge [sflag:s4], $0x0  }
0x19: {  	s7 =	sld [smem:$0x3F9C]  }
0x1a: {  	s8 =	sadd.s32 $0xFFFFE003, lr  }
0x1b: {  	s9 =	sadd.s32 $0xFFFFFEF7, lr;
	s5 =	simm.s32 $0xFFFFFFFF;
	p2 =	slt.u32 s8, $0xFFFFF086  }
0x1c: {  	p1 =	slt.u32 s9, $0xF7A;
	s5 =	simm.s32 @!p2 $0x0  }
0x1d: {  	s5 =	simm.s32 @p1 $0x1;
	p0 =	seq.s32 s7, s2  }
0x1e: {  	s7 =	smul.u32 @!p0 $0xF7A, s2;
	p2 =	seq.s32 @!p0 s5, $0x0  }
0x1f: {  	s9 =	smul.u32 $0xF7A, s1;
	s8 =	simm.s32 @!p0 $0x1BF5;
	p2 =	por !p2, p0  }
0x20: {  	[sflag:s8] =	ssyncset.s32 @!p0 $0xFFFFF086;
	s6 =	sadd.s32 @!p0 s3, s7;
	s7 =	simm.s32 @!p0 $0x108  }
0x21: {  	s3 =	sadd.s32 s3, s9;
	s6 =	sadd.s32 @!p0 $0x88, s6;
	s7 =	simm.s32 @p2 $0x1082  }
0x22: {  	[simem:s7], [sflag:s8] =	dma.local @!p0 [hbm:s6], $0xF7A  }
0x23: {  	s9 =	sor.u32 $0xD0000000, s2;
	s6 =	simm.s32 $0x108;
	_ =	swait.ge @!p0 [sflag:s8], $0x0  }
0x24: {  	s3 =	sadd.s32 $0x88, s3;
	s6 =	simm.s32 @!p1 $0x1082;
	[sflag:s4] =	ssyncset.s32 $0xFFFFF086  }
0x25: {  	[simem:s6], [sflag:s4] =	dma.local [hbm:s3], $0xF7A  }
0x26: {  	[smem:$0x3F9C] =	sst s1;
	(tag) =	ssettag s2;
	_ =	strace s9  }
0x27: {  	s1 =	sld [smem:$0x3FAC]  }
0x28: {  	s2 =	sld [smem:$0x3FAD]  }
0x29: {  	s4 =	sld [smem:$0x3FAF]  }
0x2a: {  	p0 =	seq.s32 s5, $0x0;
	s5 =	sld [smem:$0x3FB0]  }
0x2b: {  	s6 =	sld [smem:$0x3FB1]  }
0x2c: {  	s7 =	sld [smem:$0x3FB2]  }
0x2d: {  	s3 =	simm.s32 $0x108;
	s8 =	sld [smem:$0x3FB3]  }
0x2e: {  	s3 =	simm.s32 @!p0 $0x1082;
	s9 =	sld [smem:$0x3FB4]  }
0x2f: {  	lr =	sadd.s32 s0, s3;
	s0 =	sld [smem:$0x3FAB]  }
0x30: {  	s3 =	sld [smem:$0x3FAE]  }
0x31: {  	[smem:$0x3FB7] =	sst s10  }
0x32: {  	s10 =	sld [smem:$0x3FB5];
	_ =	sdelay $0x3  }
0x33: {  	p0 =	seq.s32 s10, $0x1;
	s10 =	sld [smem:$0x3FB7];
	_ =	sdelay $0x3  }
0x34: {  	[smem:$0x3FB7] =	sst s10  }
0x35: {  	s10 =	sld [smem:$0x3FB6];
	_ =	sdelay $0x3  }
0x36: {  	p1 =	seq.s32 s10, $0x1;
	s10 =	sld [smem:$0x3FB7];
	_ =	sdelay $0x3  }
0x37: {  	[smem:$0x3FB7] =	sst s10  }
0x38: {  	s10 =	sld [smem:$0x3FB8]  }
0x39: {  	_ = 	snop;
	(pc) =	sbr.ind lr, $3  }
0x3a: {  	_ = 	snop  }
0x3b: {  	_ = 	snop  }
0x3c: {  	p2 =	seq.s32 s10, $0x1;
	s10 =	sld [smem:$0x3FB7]  }
0x3d: {  	_ =	shalt  }
0x3e: {  	_ =	shalt  }
0x3f: {  	_ =	shalt  }
0x40: {  	_ =	shalt  }
0x41: {  	_ =	shalt  }
0x42: {  	_ =	shalt  }
0x43: {  	_ =	shalt  }
0x44: {  	_ =	shalt  }
0x45: {  	_ =	shalt  }
0x46: {  	_ =	shalt  }
0x47: {  	_ =	shalt  }
0x48: {  	_ =	shalt  }
0x49: {  	_ =	shalt  }
0x4a: {  	_ =	shalt  }
0x4b: {  	_ =	shalt  }
0x4c: {  	_ =	shalt  }
0x4d: {  	_ =	shalt  }
0x4e: {  	_ =	shalt  }
0x4f: {  	_ =	shalt  }
0x50: {  	_ =	shalt  }
0x51: {  	_ =	shalt  }
0x52: {  	_ =	shalt  }
0x53: {  	_ =	shalt  }
0x54: {  	_ =	shalt  }
0x55: {  	_ =	shalt  }
0x56: {  	_ =	shalt  }
0x57: {  	_ =	shalt  }
0x58: {  	_ =	shalt  }
0x59: {  	_ =	shalt  }
0x5a: {  	_ =	shalt  }
0x5b: {  	_ =	shalt  }
0x5c: {  	_ =	shalt  }
0x5d: {  	_ =	shalt  }
0x5e: {  	_ =	shalt  }
0x5f: {  	_ =	shalt  }
0x60: {  	_ =	shalt  }
0x61: {  	_ =	shalt  }
0x62: {  	_ =	shalt  }
0x63: {  	_ =	shalt  }
0x64: {  	_ =	shalt  }
0x65: {  	_ =	shalt  }
0x66: {  	_ =	shalt  }
0x67: {  	_ =	shalt  }
0x68: {  	_ =	shalt  }
0x69: {  	_ =	shalt  }
0x6a: {  	_ =	shalt  }
0x6b: {  	_ =	shalt  }
0x6c: {  	_ =	shalt  }
0x6d: {  	_ =	shalt  }
0x6e: {  	_ =	shalt  }
0x6f: {  	_ =	shalt  }
0x70: {  	_ =	shalt  }
0x71: {  	_ =	shalt  }
0x72: {  	_ =	shalt  }
0x73: {  	_ =	shalt  }
0x74: {  	_ =	shalt  }
0x75: {  	_ =	shalt  }
0x76: {  	_ =	shalt  }
0x77: {  	_ =	shalt  }
0x78: {  	_ =	shalt  }
0x79: {  	_ =	shalt  }
0x7a: {  	_ =	shalt  }
0x7b: {  	_ =	shalt  }
0x7c: {  	_ =	shalt  }
0x7d: {  	_ =	shalt  }
0x7e: {  	_ =	shalt  }
0x7f: {  	_ =	shalt  }
0x80: {  	_ =	shalt  }
0x81: {  	_ =	shalt  }
0x82: {  	_ =	shalt  }
0x83: {  	_ =	shalt  }
0x84: {  	_ =	shalt  }
0x85: {  	_ =	shalt  }
0x86: {  	_ =	shalt  }
0x87: {  	_ =	shalt  }
.Lfunc_end0:
.L_simem_size_0:
called_computation_lowered:
.L_overlay_start_0:
0x88: {  	s2 =	sld [smem:$0x3FD9]  }
0x89: {  	s3 =	sld [smem:$0x3FFE];
	_ =	sdelay $0x1  }
0x8a: {  	s1 =	srdreg.scid  }
0x8b: {  	s0 =	sand.u32 $0x1, s1  }
0x8c: {  	s16 =	sshll.u32 s0, $0xA;
	s2 =	sadd.s32 s3, s2  }
0x8d: {  	s2 =	sadd.s32 s2, s16  }
0x8e: {  	[smem:$0x3FC3] =	sst s2  }
0x8f: {  	_ = 	snop  }
0x90: {  	(tm) =	ssettm $0x1  }
0x91: {  	s17 =	sld [smem:$0x3FFB];
	_ =	sdelay $0x3  }
0x92: {  	_ =	strace s17  }
0x93: {  	s2 =	sld [smem:$0x3FFC];
	_ =	sdelay $0x3  }
0x94: {  	_ =	strace s2  }
0x95: {  	s2 =	sld [smem:$0x3FFD];
	_ =	sdelay $0x3  }
0x96: {  	_ =	strace s2  }
0x97: {  	_ =	strace $0x8FFFFFFF  }
0x98: {  	s18 =	sld [smem:$0x3FDB];
	_ =	sdelay $0x1  }
0x99: {  	s19 =	simm.s32 $_scs_section_size  }
0x9a: {  	s4 =	simm.s32 $_size__tile_overlayer_lowered;
	s5 =	simm.s32 $_tile_overlayer_lowered  }
0x9b: {  	s22 =	simm.s32 $0x1BFF;
	s21 =	sshll.u32 s5, $0x1;
	s2 =	sadd.s32 s19, s18  }
0x9c: {  	s6 =	simm.s32 $0x0;
	s20 =	sshll.u32 s4, $0x1;
	s4 =	sadd.s32 s21, s2  }
0x9d: {  	[timem:s6], [sflag:s22] =	dma.local [hbm:s4], s20  }
0x9e: {  	_ =	swait.ge [sflag:s22], s20  }
0x9f: {  	s3 =	ssub.s32 $0x0, s20;
	[sflag:s22] =	ssyncset.done $0x0  }
0xa0: {  	[sflag:s22] =	ssyncadd.s32 s3;
	_ =	sdelay $0x1  }
0xa1: {  	s23 =	simm.s32 $0x1B8B  }
0xa2: {  	_ =	swait.ge [sflag:s23], $0x1  }
0xa3: {  	[sflag:s23] =	ssyncset.done $0x0  }
0xa4: {  	s25 =	simm.s32 $0x1B8E;
	s24 =	sld [smem:$0x3FFE];
	[sflag:s23] =	ssyncadd.s32 $0xFFFFFFFF  }
0xa5: {  	s26 =	simm.s32 $execute0_lowered;
	[smem:$0x3FD2] =	sst s25  }
0xa6: {  	s4 =	sshll.u32 s26, $0x1;
	_ =	strace $0x80000046;
	[dreg:$0x1] =	wrdreg $0xFFFFFFFF  }
0xa7: {  	s28 =	simm.s32 $_size_execute0_lowered;
	s2 =	sadd.s32 s2, s4;
	[dreg:$0x0] =	wrdreg $0x0  }
0xa8: {  	s4 =	sshll.u32 s28, $0x1;
	[dreg:$0x2] =	wrdreg s2  }
0xa9: {  	[dreg:$0x3] =	wrdreg s4  }
0xaa: {  	[dreg:$0x4] =	wrdreg $0xC0  }
0xab: {  	_ =	task [dreg:s6], $0x5FFFF  }
0xac: {  	[dreg:$0x1] =	wrdreg $0xFFFFFFFF  }
0xad: {  	[dreg:$0x0] =	wrdreg $0x60  }
0xae: {  	[dreg:$0x2] =	wrdreg s24  }
0xaf: {  	[dreg:$0x3] =	wrdreg $0x3800  }
0xb0: {  	[dreg:$0x4] =	wrdreg $0x9  }
0xb1: {  	_ =	task.clear_ibuf [dreg:s6], $0x5FFFF;
	_ =	strace $0x90000046  }
0xb2: {  	s29 =	simm.s32 $0x9;
	_ =	strace $0x80000048  }
0xb3: {  	_ =	swait.ge [sflag:s29], $0x1  }
0xb4: {  	[sflag:s29] =	ssyncadd.s32 $0xFFFFFFFF  }
0xb5: {  	_ =	strace $0x90000048  }
0xb6: {  	_ =	sfence  }
0xb7: {  	s30 =	sld [smem:$0x0];
	_ =	sdelay $0x2  }
0xb8: {  	s31 =	sshll.u32 s1, $0xD;
	s1 =	sshrl.u32 s1, $0x2  }
0xb9: {  	s3 =	sand.u32 $0x4000, s31;
	s1 =	sadd.s32 s1, s30  }
0xba: {  	s0 =	sor.u32 s3, s0;
	s1 =	sshll.u32 s1, $0x11  }
0xbb: {  	s0 =	sor.u32 s1, s0  }
0xbc: {  	s0 =	sadd.s32 $0x8F2B, s0  }
0xbd: {  	[sflag:s0] =	ssyncadd.remote.s32 $0x1  }
0xbe: {  	_ =	sfence.sel $0xFFFF  }
0xbf: {  	[dreg:$0x0] =	wrdreg $0xFFFFFFFF;
	(pc) =	sbr.abs _section_cstart, $3  }
0xc0: {  	[dreg:$0x1] =	wrdreg $0xFFFFFFFF  }
0xc1: {  	_ =	task.clear_ibuf [dreg:s6], $0x2FFFF;
	_ =	strace $0x9FFFFFFF  }
0xc2: {  	(tm) =	ssettm $0x7FFFFFFF  }
0xc3: {  	_ =	shalt  }
tec
execute0_lowered:
.L_overlay_start_1:
0x0: {  	(tag) =	ssettag $0x1  }
0x1: {  	s4 =	rddreg [dreg:$0x0]  }
0x2: {  	s1 =	rddreg [dreg:$0x1];
	s2 =	srdreg.scid  }
0x3: {  	s0 =	rddreg [dreg:$0x2];
	s5 =	sand.u32 $0x1, s2  }
0x4: {  	s3 =	simm.s32 $0x0;
	s2 =	stileid.u32;
	s6 =	smul.u32 $0x4F00, s5  }
0x5: {  	[smem:$0x7FF] =	sst s3;
	s7 =	smul.u32 $0x500, s2  }
0x6: {  	s11 =	simm.s32 $0x0;
	_ =	strace $0x80000047;
	s29 =	smul.u32 $0xA00, s2  }
0x7: {  	s8 =	sshll.u32 s5, $0x7;
	s5 =	ssub.s32 $0x2, s5;
	s10 =	smul.u32 $0x4F0, s2  }
0x8: {  	s9 =	sshrl.u32 s5, $0x1;
	s6 =	sadd.s32 s6, s4;
	s7 =	sor.u32 s8, s7  }
0x9: {  	s9 =	ssub.s32 s5, s9;
	s30 =	sshrl.u32 s29, $0x2;
	s8 =	simm.s32 $0x100  }
0xa: {  	s7 =	sshrl.u32 s7, $0x3;
	s31 =	sadd.s32 s10, s6;
	s6 =	smax.u32 s9, $0x1  }
0xb: {  	s9 =	simm.s32 $0x1;
	s10 =	simm.s32 $0x80;
	s7 =	sadd.s32 s7, s4  }
0xc: {  	v0 =	vimm.f32 $0.0e+00;
	v1 =	vimm.f32 $1.000000000e+00;
	s4 =	sadd.s32 s30, s1;
	s5 =	sadd.s32 $0xBA00, s7;
	s7 =	sadd.s32 $0x1C00, s31  }
.LBB2_1:
0xd: {  	[tilespmem:$0x100] =	vst v0  }
0xe: {  	[tilespmem:$0x110] =	vst v0  }
0xf: {  	[tilespmem:$0x120] =	vst v0  }
0x10: {  	[tilespmem:$0x130] =	vst v0  }
0x11: {  	[tilespmem:$0x140] =	vst v0  }
0x12: {  	[tilespmem:$0x150] =	vst v0  }
0x13: {  	[tilespmem:$0x160] =	vst v0  }
0x14: {  	[tilespmem:$0x170] =	vst v0  }
0x15: {  	[tilespmem:$0x180] =	vst v0  }
0x16: {  	[tilespmem:$0x190] =	vst v0  }
0x17: {  	[tilespmem:$0x1A0] =	vst v0  }
0x18: {  	[tilespmem:$0x1B0] =	vst v0  }
0x19: {  	[tilespmem:$0x1C0] =	vst v0  }
0x1a: {  	[tilespmem:$0x1D0] =	vst v0  }
0x1b: {  	[tilespmem:$0x1E0] =	vst v0  }
0x1c: {  	[tilespmem:$0x1F0] =	vst v0  }
0x1d: {  	[tilespmem:$0x200] =	vst v0  }
0x1e: {  	[tilespmem:$0x210] =	vst v0  }
0x1f: {  	[tilespmem:$0x220] =	vst v0  }
0x20: {  	[tilespmem:$0x230] =	vst v0  }
0x21: {  	[tilespmem:$0x240] =	vst v0  }
0x22: {  	[tilespmem:$0x250] =	vst v0  }
0x23: {  	[tilespmem:$0x260] =	vst v0  }
0x24: {  	[tilespmem:$0x270] =	vst v0  }
0x25: {  	[tilespmem:$0x280] =	vst v0  }
0x26: {  	[tilespmem:$0x290] =	vst v0  }
0x27: {  	[tilespmem:$0x2A0] =	vst v0  }
0x28: {  	[tilespmem:$0x2B0] =	vst v0  }
0x29: {  	[tilespmem:$0x2C0] =	vst v0  }
0x2a: {  	[tilespmem:$0x2D0] =	vst v0  }
0x2b: {  	[tilespmem:$0x2E0] =	vst v0  }
0x2c: {  	[tilespmem:$0x2F0] =	vst v0  }
0x2d: {  	[tilespmem:$0x300] =	vst v0  }
0x2e: {  	[tilespmem:$0x310] =	vst v0  }
0x2f: {  	[tilespmem:$0x320] =	vst v0  }
0x30: {  	[tilespmem:$0x330] =	vst v0  }
0x31: {  	[tilespmem:$0x340] =	vst v0  }
0x32: {  	[tilespmem:$0x350] =	vst v0  }
0x33: {  	[tilespmem:$0x360] =	vst v0  }
0x34: {  	[tilespmem:$0x370] =	vst v0  }
0x35: {  	[tilespmem:$0x80] =	vst v1  }
0x36: {  	[tilespmem:$0x90] =	vst v1  }
0x37: {  	[tilespmem:$0xA0] =	vst v1  }
0x38: {  	[tilespmem:$0xB0] =	vst v1  }
0x39: {  	[tilespmem:$0xC0] =	vst v1  }
0x3a: {  	[tilespmem:$0xD0] =	vst v1  }
0x3b: {  	[tilespmem:$0xE0] =	vst v1  }
0x3c: {  	[tilespmem:$0xF0] =	vst v1  }
0x3d: {  	[spmem:s4] =	stream.linear.scatter [tilespmem:s8], [sflag:$0x1], $0x280, $0x38;
	[tilespmem:$0x600] =	vst v63  }
0x3e: {  	_ =	swait.ge [sflag:s9], $0x280  }
0x3f: {  	[sflag:s9] =	ssyncset.done $0x0  }
0x40: {  	[sflag:s9] =	ssyncadd.s32 $0xFFFFFD80  }
0x41: {  	s12 =	sadd.s32 $0x0, s7;
	[bflag:$0x0] =	sbarrier.arrive $0xFFFF  }
0x42: {  	[tilespmem:s3], [sflag:$0x1] =	stream.linear.gather [hbm4b:s12+s3], $0x80, $0x38;
	[tilespmem:$0x600] =	vst v63  }
0x43: {  	_ =	swait.ge [sflag:s9], $0x80  }
0x44: {  	[sflag:s9] =	ssyncset.done $0x0  }
0x45: {  	[sflag:s9] =	ssyncadd.s32 $0xFFFFFF80  }
0x46: {  	[spmem:s1] =	stream.indirect.scatter.add.f32 [tilespmem:s10], [sflag:$0x1], $0x1, s3, s10, $0xb8;
	[tilespmem:$0x600] =	vst v63  }
0x47: {  	_ =	swait.ge [sflag:s9], $0x80  }
0x48: {  	s13 =	simm.s32 $0x20;
	s12 =	simm.s32 $0x10;
	[sflag:s9] =	ssyncset.done $0x0  }
.LBB2_2:
0x49: {  	s14 =	sadd.s32 s12, s7  }
0x4a: {  	[sflag:s9] =	ssyncadd.s32 $0xFFFFFF80;
	s12 =	smov.u32 s13;
	s15 =	sadd.s32 $0x10, s13  }
0x4b: {  	[tilespmem:s3], [sflag:$0x1] =	stream.linear.gather [hbm4b:s14+s3], $0x80, $0x38;
	[tilespmem:$0x600] =	vst v63  }
0x4c: {  	p0 =	sne.s32 s13, $0x4E0;
	_ =	swait.ge [sflag:s9], $0x80  }
.Ltmp0:
0x4d: {  	[sflag:s9] =	ssyncset.done $0x0;
	(pc) =	sbr.rel @p0 .LBB2_2-.Ltmp0, $4  }
0x4e: {  	[sflag:s9] =	ssyncadd.s32 $0xFFFFFF80  }
0x4f: {  	[spmem:s1] =	stream.indirect.scatter.add.f32 [tilespmem:s10], [sflag:$0x1], $0x1, s3, s10, $0xb8;
	[tilespmem:$0x600] =	vst v63  }
0x50: {  	_ =	swait.ge [sflag:s9], $0x80  }
0x51: {  	s13 =	smov.u32 s15;
	[sflag:s9] =	ssyncset.done $0x0  }
0x52: {  	s12 =	sadd.s32 s12, s7;
	[sflag:s9] =	ssyncadd.s32 $0xFFFFFF80  }
0x53: {  	[tilespmem:s3], [sflag:$0x1] =	stream.linear.gather [hbm4b:s12+s3], $0x80, $0x38;
	[tilespmem:$0x600] =	vst v63  }
0x54: {  	_ =	swait.ge [sflag:s9], $0x80  }
0x55: {  	[sflag:s9] =	ssyncset.done $0x0  }
0x56: {  	[sflag:s9] =	ssyncadd.s32 $0xFFFFFF80  }
0x57: {  	[spmem:s1] =	stream.indirect.scatter.add.f32 [tilespmem:s10], [sflag:$0x1], $0x1, s3, s10, $0xb8;
	[tilespmem:$0x600] =	vst v63  }
0x58: {  	_ =	swait.ge [sflag:s9], $0x80  }
0x59: {  	[sflag:s9] =	ssyncset.done $0x0  }
0x5a: {  	[sflag:s9] =	ssyncadd.s32 $0xFFFFFF80  }
0x5b: {  	[bflag:$0x0] =	sbarrier.arrive $0xFFFF  }
0x5c: {  	[tilespmem:s8], [sflag:$0x1] =	stream.linear.gather [spmem:s4], $0x280, $0x38;
	[tilespmem:$0x600] =	vst v63  }
0x5d: {  	s11 =	sadd.s32 $0x1, s11;
	_ =	swait.ge [sflag:s9], $0x280  }
0x5e: {  	p0 =	sne.s32 s11, s6;
	[sflag:s9] =	ssyncset.done $0x0  }
.Ltmp1:
0x5f: {  	[sflag:s9] =	ssyncadd.s32 $0xFFFFFD80;
	(pc) =	sbr.rel @p0 .LBB2_1-.Ltmp1, $4  }
0x60: {  	[hbm4b:s5+s10] =	stream.strided.scatter [tilespmem:s8], [sflag:$0x1], $0x280, s8, s10, $0x38;
	[tilespmem:$0x600] =	vst v63  }
0x61: {  	_ =	swait.ge [sflag:s9], $0x280  }
0x62: {  	[sflag:s9] =	ssyncset.done $0x0  }
0x63: {  	[sflag:s9] =	ssyncadd.s32 $0xFFFFFD80  }
0x64: {  	_ =	sfence.sel $0x180000  }
0x65: {  	[bflag:$0x0] =	sbarrier.arrive $0xFFFF  }
0x66: {  	p0 =	sne.s32 s2, $0x0;
	_ =	strace $0x90000047  }
0x67: {  	s0 =	sadd.s32 @!p0 $0x100000, s0;
	[bflag:$0x2] =	sbarrier.arrive $0xFFFF  }
0x68: {  	[sflag:s0] =	ssyncadd.tile.s32 @!p0 $0x1;
	_ =	shalt  }
.Lfunc_end2:
_tile_overlayer_lowered:
.L_overlay_start_2:
0x69: {  	(tag) =	ssettag $0x2  }
0x6a: {  	s0 =	rddreg [dreg:$0x0];
	s2 =	stileid.u32  }
0x6b: {  	s1 =	rddreg [dreg:$0x1];
	p0 =	sne.s32 s2, $0x0  }
0x6c: {  	s3 =	rddreg [dreg:$0x2];
	[bflag:$0x3] =	sbarrier.arrive $0xFFFF;
	s2 =	simm.s32 @!p0 $0x1C01  }
0x6d: {  	[timem:s3], [sflag:s2] =	dma.local @!p0 [hbm:s0], s1  }
0x6e: {  	s0 =	simm.s32 @!p0 $0x1  }
0x6f: {  	_ =	swait.ge @!p0 [sflag:s0], s1  }
0x70: {  	s1 =	ssub.s32 @!p0 $0x0, s1;
	[sflag:s0] =	ssyncset.done @!p0 $0x0  }
0x71: {  	[sflag:s0] =	ssyncadd.s32 @!p0 s1  }
0x72: {  	[bflag:$0x3] =	sbarrier.arrive $0xFFFF  }
0x73: {  	_ =	shalt  }

</sc_bundles>
